<compile_context>
chip_gen: v7x
topology: tpu7x:2x2x1
jax: 0.10.2.dev20260603
libtpu: 0.0.44.dev20260713+nightly
codegen_flags: <defaults>
</compile_context>

<pallas_src>
import functools

import jax
import jax.numpy as jnp
from jax import lax
from jax.experimental import pallas as pl
from jax.experimental.pallas import tpu as pltpu
from jax.experimental.pallas import tpu_sc as plsc

_NC = 2
_NS = 16
_NW = _NC * _NS
_LANES = 16

_G = 8
_ROWS_PER_DMA = 128
_CHUNK = _G * _ROWS_PER_DMA


def _body(nodes_hbm, mask_hbm, table_hbm, out_hbm, idx_v, msk_v, rows_v, sem):
    n_groups = nodes_hbm.shape[0]
    d = table_hbm.shape[1]
    groups_per_w = n_groups // _NW
    chunks_per_w = groups_per_w // _G

    wid = lax.axis_index("s") * _NC + lax.axis_index("c")
    w_group0 = wid * groups_per_w

    zeros16 = jnp.zeros((_LANES,), jnp.float32)
    iota16 = lax.iota(jnp.int32, _LANES)

    def chunk_body(t, carry):
        bg = w_group0 + t * _G
        pltpu.sync_copy(nodes_hbm.at[pl.ds(bg, _G)], idx_v)
        pltpu.sync_copy(mask_hbm.at[pl.ds(bg, _G)], msk_v)
        copies = [
            pltpu.async_copy(
                table_hbm.at[idx_v.at[g]], rows_v.at[pl.ds(g * _ROWS_PER_DMA, _ROWS_PER_DMA)], sem
            )
            for g in range(_G)
        ]
        for c in copies:
            c.wait()

        def strip_body(s, carry2):
            g = s // (_ROWS_PER_DMA // _LANES)
            r0 = (s % (_ROWS_PER_DMA // _LANES)) * _LANES
            mv = msk_v[g, pl.ds(r0, _LANES)]
            invalid = mv == 0
            rowvec = iota16 + s * _LANES
            cv = jnp.zeros((_LANES,), jnp.int32)
            for _c in range(d):
                plsc.store_scatter(rows_v, [rowvec, cv], zeros16, mask=invalid)
                cv = cv + 1
            return carry2

        lax.fori_loop(0, _CHUNK // _LANES, strip_body, 0, unroll=False)

        pltpu.sync_copy(rows_v, out_hbm.at[pl.ds(bg * _ROWS_PER_DMA, _CHUNK)])
        return carry

    lax.fori_loop(0, chunks_per_w, chunk_body, 0, unroll=False)


@functools.partial(jax.jit, static_argnames=())
def _sc_lookup(nodes2d, mask2d, table):
    n_groups = nodes2d.shape[0]
    n_rows = n_groups * _ROWS_PER_DMA
    d = table.shape[1]
    mesh = plsc.VectorSubcoreMesh(core_axis_name="c", subcore_axis_name="s")
    return pl.kernel(
        _body,
        out_type=jax.ShapeDtypeStruct((n_rows, d), jnp.float32),
        mesh=mesh,
        scratch_types=[
            pltpu.VMEM((_G, _ROWS_PER_DMA), jnp.int32),
            pltpu.VMEM((_G, _ROWS_PER_DMA), jnp.int32),
            pltpu.VMEM((_CHUNK, d), jnp.float32),
            pltpu.SemaphoreType.DMA,
        ],
        compiler_params=pltpu.CompilerParams(
            needs_layout_passes=False,
            use_tc_tiling_on_sc=False,
        ),
        name="masked_embedding_gather",
    )(nodes2d, mask2d, table)


def kernel(nodes, mask, table):
    b, l = nodes.shape
    v, d = table.shape
    n = b * l
    assert n % (_NW * _CHUNK) == 0
    nodes2d = nodes.reshape(n // _ROWS_PER_DMA, _ROWS_PER_DMA)
    mask2d = mask.astype(jnp.int32).reshape(n // _ROWS_PER_DMA, _ROWS_PER_DMA)
    out = _sc_lookup(nodes2d, mask2d, table)
    return out.reshape(b, l, d)

# --- scband reference (transcript-rebuilt; emitter-appended) ---
"""Pipeline reference for scband-shared-embedding-encoder-64793876628033 (READ-ONLY COPY).

The authoritative reference and input builder live on the scoring server;
editing this copy changes nothing except your own understanding.
"""

import jax, jax.numpy as jnp
import numpy as np

BATCH = 4096
HIST = 200
VOCAB = 1000000
EMBED = 32


def setup_inputs(seed: int = 0) -> dict:
    key = jax.random.key(seed)
    k1, k2, k3 = jax.random.split(key, 3)
    nodes = jax.random.randint(k1, (BATCH, HIST), 0, VOCAB, dtype=jnp.int32)
    mask = jax.random.randint(k2, (BATCH, HIST), 0, 2, dtype=jnp.int32) == 1
    # 'storage' embedding table, trunc-normal init std=0.02 approximated by clipped normal
    table = jnp.clip(jax.random.normal(k3, (VOCAB, EMBED), dtype=jnp.float32) * 0.02, -0.04, 0.04)
    return {"nodes": nodes, "mask": mask, "table": table}


def reference(nodes, mask, table):
    # Faithful translation of SharedEmbeddingEncoder.forward:
    #   all_nodes = nodes[mask]; out = zeros(B, L, D); out[mask] = storage(all_nodes)
    # Equivalent dense form: gather for every position, zero out masked-off slots.
    emb = jnp.take(table, nodes, axis=0)            # [B, L, D] gather
    emb = jnp.where(mask[..., None], emb, 0.0)      # zeros where mask is False
    return emb

if __name__ == "__main__":
    import jax
    _d = setup_inputs()
    print(jax.jit(kernel)(*tuple(_d.values())))

</pallas_src>

<mosaic_0001>
#map = affine_map<(d0, d1) -> (0, 0)>
module attributes {stable_mosaic.version = 14 : i64} {
  func.func @masked_embedding_gather(%arg0: i32, %arg1: i32, %arg2: memref<6400x128xi32, #tpu.memory_space<hbm>>, %arg3: memref<6400x128xi32, #tpu.memory_space<hbm>>, %arg4: memref<1000000x32xf32, #tpu.memory_space<hbm>>, %arg5: memref<819200x32xf32, #tpu.memory_space<hbm>>, %arg6: memref<8x128xi32, #tpu.memory_space<vmem>>, %arg7: memref<8x128xi32, #tpu.memory_space<vmem>>, %arg8: memref<1024x32xf32, #tpu.memory_space<vmem>>, %arg9: memref<!tpu.dma_semaphore, #tpu.memory_space<semaphore_mem>>) attributes {dimension_semantics = [#tpu.dimension_semantics<core_parallel>, #tpu.dimension_semantics<subcore_parallel>], iteration_bounds = array<i64: 2, 16>, scalar_prefetch = 0 : i64, scratch_operands = 4 : i64, tpu.core_type = #tpu.core_type<sc_vector_subcore>, window_params = [{transform_indices = #map}, {transform_indices = #map}, {transform_indices = #map}, {transform_indices = #map}]} {
    %mul3A = arith.constant 2 : i32
    %mul3A_0 = arith.muli %arg1, %mul3A : i32
    %add3A = arith.addi %mul3A_0, %arg0 : i32
    %mul3A_1 = arith.constant 200 : i32
    %mul3A_2 = arith.muli %add3A, %mul3A_1 : i32
    %broadcast_in_dim3A = arith.constant 0.000000e+00 : f32
    %broadcast_in_dim3A_3 = vector.broadcast %broadcast_in_dim3A : f32 to vector<16xf32>
    %iota3A = tpu.iota {dimensions = array<i32: 0>} : vector<16xi32>
    %scan3A = arith.constant 0 : i32
    %scan3A_4 = arith.constant 0 : i32
    %scan3A_5 = arith.constant 25 : i32
    %scan3A_6 = arith.addi %scan3A_4, %scan3A_5 : i32
    %scan3A_7 = arith.constant 1 : i32
    scf.for %scan3A_9 = %scan3A_4 to %scan3A_6 step %scan3A_7  : i32 {
      %mul3A_10 = arith.constant 8 : i32
      %mul3A_11 = arith.muli %scan3A_9, %mul3A_10 : i32
      %add3A_12 = arith.addi %mul3A_2, %mul3A_11 : i32
      "tpu.region"() ({
        %run_scoped3A = tpu.sem_alloc : memref<!tpu.dma_semaphore, #tpu.memory_space<semaphore_mem>>
        %dma_start3A_179 = arith.constant 0 : i32
        %dma_start3A_180 = tpu.memref_slice %arg2[%add3A_12, %dma_start3A_179] : memref<6400x128xi32, #tpu.memory_space<hbm>> -> memref<8x128xi32, #tpu.memory_space<hbm>>
        %dma_start3A_181 = arith.constant 0 : i32
        %dma_start3A_182 = tpu.memref_slice %arg2[%add3A_12, %dma_start3A_181] : memref<6400x128xi32, #tpu.memory_space<hbm>> -> memref<8x128xi32, #tpu.memory_space<hbm>>
        tpu.enqueue_dma source(%dma_start3A_182 : memref<8x128xi32, #tpu.memory_space<hbm>>) target(%arg6 : memref<8x128xi32, #tpu.memory_space<vmem>>) target_semaphore(%run_scoped3A : memref<!tpu.dma_semaphore, #tpu.memory_space<semaphore_mem>>)
        %dma_wait3A_183 = arith.constant 0 : i32
        %dma_wait3A_184 = tpu.memref_slice %arg2[%add3A_12, %dma_wait3A_183] : memref<6400x128xi32, #tpu.memory_space<hbm>> -> memref<8x128xi32, #tpu.memory_space<hbm>>
        %dma_wait3A_185 = arith.constant 0 : i32
        %dma_wait3A_186 = tpu.memref_slice %arg2[%add3A_12, %dma_wait3A_185] : memref<6400x128xi32, #tpu.memory_space<hbm>> -> memref<8x128xi32, #tpu.memory_space<hbm>>
        tpu.wait_dma2 semaphore(%run_scoped3A : memref<!tpu.dma_semaphore, #tpu.memory_space<semaphore_mem>>) src(%dma_wait3A_186 : memref<8x128xi32, #tpu.memory_space<hbm>>) dst(%arg6 : memref<8x128xi32, #tpu.memory_space<vmem>>)
        tpu.yield
      }) : () -> ()
      "tpu.region"() ({
        %run_scoped3A = tpu.sem_alloc : memref<!tpu.dma_semaphore, #tpu.memory_space<semaphore_mem>>
        %dma_start3A_179 = arith.constant 0 : i32
        %dma_start3A_180 = tpu.memref_slice %arg3[%add3A_12, %dma_start3A_179] : memref<6400x128xi32, #tpu.memory_space<hbm>> -> memref<8x128xi32, #tpu.memory_space<hbm>>
        %dma_start3A_181 = arith.constant 0 : i32
        %dma_start3A_182 = tpu.memref_slice %arg3[%add3A_12, %dma_start3A_181] : memref<6400x128xi32, #tpu.memory_space<hbm>> -> memref<8x128xi32, #tpu.memory_space<hbm>>
        tpu.enqueue_dma source(%dma_start3A_182 : memref<8x128xi32, #tpu.memory_space<hbm>>) target(%arg7 : memref<8x128xi32, #tpu.memory_space<vmem>>) target_semaphore(%run_scoped3A : memref<!tpu.dma_semaphore, #tpu.memory_space<semaphore_mem>>)
        %dma_wait3A_183 = arith.constant 0 : i32
        %dma_wait3A_184 = tpu.memref_slice %arg3[%add3A_12, %dma_wait3A_183] : memref<6400x128xi32, #tpu.memory_space<hbm>> -> memref<8x128xi32, #tpu.memory_space<hbm>>
        %dma_wait3A_185 = arith.constant 0 : i32
        %dma_wait3A_186 = tpu.memref_slice %arg3[%add3A_12, %dma_wait3A_185] : memref<6400x128xi32, #tpu.memory_space<hbm>> -> memref<8x128xi32, #tpu.memory_space<hbm>>
        tpu.wait_dma2 semaphore(%run_scoped3A : memref<!tpu.dma_semaphore, #tpu.memory_space<semaphore_mem>>) src(%dma_wait3A_186 : memref<8x128xi32, #tpu.memory_space<hbm>>) dst(%arg7 : memref<8x128xi32, #tpu.memory_space<vmem>>)
        tpu.yield
      }) : () -> ()
      %dma_start3A = arith.constant 0 : i32
      %dma_start3A_13 = arith.constant 0 : i32
      %dma_start3A_14 = arith.constant 0 : i32
      %dma_start3A_15 = tpu.memref_slice %arg8[%dma_start3A_13, %dma_start3A_14] : memref<1024x32xf32, #tpu.memory_space<vmem>> -> memref<128x32xf32, #tpu.memory_space<vmem>>
      %dma_start3A_16 = arith.constant 0 : i32
      %dma_start3A_17 = tpu.memref_slice %arg6[%dma_start3A, %dma_start3A_16] : memref<8x128xi32, #tpu.memory_space<vmem>> -> memref<1x128xi32, #tpu.memory_space<vmem>>
      %dma_start3A_18 = tpu.memref_squeeze %dma_start3A_17 : memref<1x128xi32, #tpu.memory_space<vmem>> -> memref<128xi32, #tpu.memory_space<vmem>>
      %dma_start3A_19 = arith.constant 0 : i32
      %dma_start3A_20 = arith.constant 0 : i32
      %dma_start3A_21 = tpu.memref_slice %arg4[%dma_start3A_19, %dma_start3A_20] : memref<1000000x32xf32, #tpu.memory_space<hbm>> -> memref<1000000x32xf32, #tpu.memory_space<hbm>>
      tpu.enqueue_indirect_dma source(%dma_start3A_21 : memref<1000000x32xf32, #tpu.memory_space<hbm>>) target(%dma_start3A_15 : memref<128x32xf32, #tpu.memory_space<vmem>>) offsets(%dma_start3A_18 : memref<128xi32, #tpu.memory_space<vmem>>) semaphore(%arg9 : memref<!tpu.dma_semaphore, #tpu.memory_space<semaphore_mem>>)
      %dma_start3A_22 = arith.constant 1 : i32
      %dma_start3A_23 = arith.constant 128 : i32
      %dma_start3A_24 = arith.constant 0 : i32
      %dma_start3A_25 = tpu.memref_slice %arg8[%dma_start3A_23, %dma_start3A_24] : memref<1024x32xf32, #tpu.memory_space<vmem>> -> memref<128x32xf32, #tpu.memory_space<vmem>>
      %dma_start3A_26 = arith.constant 0 : i32
      %dma_start3A_27 = tpu.memref_slice %arg6[%dma_start3A_22, %dma_start3A_26] : memref<8x128xi32, #tpu.memory_space<vmem>> -> memref<1x128xi32, #tpu.memory_space<vmem>>
      %dma_start3A_28 = tpu.memref_squeeze %dma_start3A_27 : memref<1x128xi32, #tpu.memory_space<vmem>> -> memref<128xi32, #tpu.memory_space<vmem>>
      %dma_start3A_29 = arith.constant 0 : i32
      %dma_start3A_30 = arith.constant 0 : i32
      %dma_start3A_31 = tpu.memref_slice %arg4[%dma_start3A_29, %dma_start3A_30] : memref<1000000x32xf32, #tpu.memory_space<hbm>> -> memref<1000000x32xf32, #tpu.memory_space<hbm>>
      tpu.enqueue_indirect_dma source(%dma_start3A_31 : memref<1000000x32xf32, #tpu.memory_space<hbm>>) target(%dma_start3A_25 : memref<128x32xf32, #tpu.memory_space<vmem>>) offsets(%dma_start3A_28 : memref<128xi32, #tpu.memory_space<vmem>>) semaphore(%arg9 : memref<!tpu.dma_semaphore, #tpu.memory_space<semaphore_mem>>)
      %dma_start3A_32 = arith.constant 2 : i32
      %dma_start3A_33 = arith.constant 256 : i32
      %dma_start3A_34 = arith.constant 0 : i32
      %dma_start3A_35 = tpu.memref_slice %arg8[%dma_start3A_33, %dma_start3A_34] : memref<1024x32xf32, #tpu.memory_space<vmem>> -> memref<128x32xf32, #tpu.memory_space<vmem>>
      %dma_start3A_36 = arith.constant 0 : i32
      %dma_start3A_37 = tpu.memref_slice %arg6[%dma_start3A_32, %dma_start3A_36] : memref<8x128xi32, #tpu.memory_space<vmem>> -> memref<1x128xi32, #tpu.memory_space<vmem>>
      %dma_start3A_38 = tpu.memref_squeeze %dma_start3A_37 : memref<1x128xi32, #tpu.memory_space<vmem>> -> memref<128xi32, #tpu.memory_space<vmem>>
      %dma_start3A_39 = arith.constant 0 : i32
      %dma_start3A_40 = arith.constant 0 : i32
      %dma_start3A_41 = tpu.memref_slice %arg4[%dma_start3A_39, %dma_start3A_40] : memref<1000000x32xf32, #tpu.memory_space<hbm>> -> memref<1000000x32xf32, #tpu.memory_space<hbm>>
      tpu.enqueue_indirect_dma source(%dma_start3A_41 : memref<1000000x32xf32, #tpu.memory_space<hbm>>) target(%dma_start3A_35 : memref<128x32xf32, #tpu.memory_space<vmem>>) offsets(%dma_start3A_38 : memref<128xi32, #tpu.memory_space<vmem>>) semaphore(%arg9 : memref<!tpu.dma_semaphore, #tpu.memory_space<semaphore_mem>>)
      %dma_start3A_42 = arith.constant 3 : i32
      %dma_start3A_43 = arith.constant 384 : i32
      %dma_start3A_44 = arith.constant 0 : i32
      %dma_start3A_45 = tpu.memref_slice %arg8[%dma_start3A_43, %dma_start3A_44] : memref<1024x32xf32, #tpu.memory_space<vmem>> -> memref<128x32xf32, #tpu.memory_space<vmem>>
      %dma_start3A_46 = arith.constant 0 : i32
      %dma_start3A_47 = tpu.memref_slice %arg6[%dma_start3A_42, %dma_start3A_46] : memref<8x128xi32, #tpu.memory_space<vmem>> -> memref<1x128xi32, #tpu.memory_space<vmem>>
      %dma_start3A_48 = tpu.memref_squeeze %dma_start3A_47 : memref<1x128xi32, #tpu.memory_space<vmem>> -> memref<128xi32, #tpu.memory_space<vmem>>
      %dma_start3A_49 = arith.constant 0 : i32
      %dma_start3A_50 = arith.constant 0 : i32
      %dma_start3A_51 = tpu.memref_slice %arg4[%dma_start3A_49, %dma_start3A_50] : memref<1000000x32xf32, #tpu.memory_space<hbm>> -> memref<1000000x32xf32, #tpu.memory_space<hbm>>
      tpu.enqueue_indirect_dma source(%dma_start3A_51 : memref<1000000x32xf32, #tpu.memory_space<hbm>>) target(%dma_start3A_45 : memref<128x32xf32, #tpu.memory_space<vmem>>) offsets(%dma_start3A_48 : memref<128xi32, #tpu.memory_space<vmem>>) semaphore(%arg9 : memref<!tpu.dma_semaphore, #tpu.memory_space<semaphore_mem>>)
      %dma_start3A_52 = arith.constant 4 : i32
      %dma_start3A_53 = arith.constant 512 : i32
      %dma_start3A_54 = arith.constant 0 : i32
      %dma_start3A_55 = tpu.memref_slice %arg8[%dma_start3A_53, %dma_start3A_54] : memref<1024x32xf32, #tpu.memory_space<vmem>> -> memref<128x32xf32, #tpu.memory_space<vmem>>
      %dma_start3A_56 = arith.constant 0 : i32
      %dma_start3A_57 = tpu.memref_slice %arg6[%dma_start3A_52, %dma_start3A_56] : memref<8x128xi32, #tpu.memory_space<vmem>> -> memref<1x128xi32, #tpu.memory_space<vmem>>
      %dma_start3A_58 = tpu.memref_squeeze %dma_start3A_57 : memref<1x128xi32, #tpu.memory_space<vmem>> -> memref<128xi32, #tpu.memory_space<vmem>>
      %dma_start3A_59 = arith.constant 0 : i32
      %dma_start3A_60 = arith.constant 0 : i32
      %dma_start3A_61 = tpu.memref_slice %arg4[%dma_start3A_59, %dma_start3A_60] : memref<1000000x32xf32, #tpu.memory_space<hbm>> -> memref<1000000x32xf32, #tpu.memory_space<hbm>>
      tpu.enqueue_indirect_dma source(%dma_start3A_61 : memref<1000000x32xf32, #tpu.memory_space<hbm>>) target(%dma_start3A_55 : memref<128x32xf32, #tpu.memory_space<vmem>>) offsets(%dma_start3A_58 : memref<128xi32, #tpu.memory_space<vmem>>) semaphore(%arg9 : memref<!tpu.dma_semaphore, #tpu.memory_space<semaphore_mem>>)
      %dma_start3A_62 = arith.constant 5 : i32
      %dma_start3A_63 = arith.constant 640 : i32
      %dma_start3A_64 = arith.constant 0 : i32
      %dma_start3A_65 = tpu.memref_slice %arg8[%dma_start3A_63, %dma_start3A_64] : memref<1024x32xf32, #tpu.memory_space<vmem>> -> memref<128x32xf32, #tpu.memory_space<vmem>>
      %dma_start3A_66 = arith.constant 0 : i32
      %dma_start3A_67 = tpu.memref_slice %arg6[%dma_start3A_62, %dma_start3A_66] : memref<8x128xi32, #tpu.memory_space<vmem>> -> memref<1x128xi32, #tpu.memory_space<vmem>>
      %dma_start3A_68 = tpu.memref_squeeze %dma_start3A_67 : memref<1x128xi32, #tpu.memory_space<vmem>> -> memref<128xi32, #tpu.memory_space<vmem>>
      %dma_start3A_69 = arith.constant 0 : i32
      %dma_start3A_70 = arith.constant 0 : i32
      %dma_start3A_71 = tpu.memref_slice %arg4[%dma_start3A_69, %dma_start3A_70] : memref<1000000x32xf32, #tpu.memory_space<hbm>> -> memref<1000000x32xf32, #tpu.memory_space<hbm>>
      tpu.enqueue_indirect_dma source(%dma_start3A_71 : memref<1000000x32xf32, #tpu.memory_space<hbm>>) target(%dma_start3A_65 : memref<128x32xf32, #tpu.memory_space<vmem>>) offsets(%dma_start3A_68 : memref<128xi32, #tpu.memory_space<vmem>>) semaphore(%arg9 : memref<!tpu.dma_semaphore, #tpu.memory_space<semaphore_mem>>)
      %dma_start3A_72 = arith.constant 6 : i32
      %dma_start3A_73 = arith.constant 768 : i32
      %dma_start3A_74 = arith.constant 0 : i32
      %dma_start3A_75 = tpu.memref_slice %arg8[%dma_start3A_73, %dma_start3A_74] : memref<1024x32xf32, #tpu.memory_space<vmem>> -> memref<128x32xf32, #tpu.memory_space<vmem>>
      %dma_start3A_76 = arith.constant 0 : i32
      %dma_start3A_77 = tpu.memref_slice %arg6[%dma_start3A_72, %dma_start3A_76] : memref<8x128xi32, #tpu.memory_space<vmem>> -> memref<1x128xi32, #tpu.memory_space<vmem>>
      %dma_start3A_78 = tpu.memref_squeeze %dma_start3A_77 : memref<1x128xi32, #tpu.memory_space<vmem>> -> memref<128xi32, #tpu.memory_space<vmem>>
      %dma_start3A_79 = arith.constant 0 : i32
      %dma_start3A_80 = arith.constant 0 : i32
      %dma_start3A_81 = tpu.memref_slice %arg4[%dma_start3A_79, %dma_start3A_80] : memref<1000000x32xf32, #tpu.memory_space<hbm>> -> memref<1000000x32xf32, #tpu.memory_space<hbm>>
      tpu.enqueue_indirect_dma source(%dma_start3A_81 : memref<1000000x32xf32, #tpu.memory_space<hbm>>) target(%dma_start3A_75 : memref<128x32xf32, #tpu.memory_space<vmem>>) offsets(%dma_start3A_78 : memref<128xi32, #tpu.memory_space<vmem>>) semaphore(%arg9 : memref<!tpu.dma_semaphore, #tpu.memory_space<semaphore_mem>>)
      %dma_start3A_82 = arith.constant 7 : i32
      %dma_start3A_83 = arith.constant 896 : i32
      %dma_start3A_84 = arith.constant 0 : i32
      %dma_start3A_85 = tpu.memref_slice %arg8[%dma_start3A_83, %dma_start3A_84] : memref<1024x32xf32, #tpu.memory_space<vmem>> -> memref<128x32xf32, #tpu.memory_space<vmem>>
      %dma_start3A_86 = arith.constant 0 : i32
      %dma_start3A_87 = tpu.memref_slice %arg6[%dma_start3A_82, %dma_start3A_86] : memref<8x128xi32, #tpu.memory_space<vmem>> -> memref<1x128xi32, #tpu.memory_space<vmem>>
      %dma_start3A_88 = tpu.memref_squeeze %dma_start3A_87 : memref<1x128xi32, #tpu.memory_space<vmem>> -> memref<128xi32, #tpu.memory_space<vmem>>
      %dma_start3A_89 = arith.constant 0 : i32
      %dma_start3A_90 = arith.constant 0 : i32
      %dma_start3A_91 = tpu.memref_slice %arg4[%dma_start3A_89, %dma_start3A_90] : memref<1000000x32xf32, #tpu.memory_space<hbm>> -> memref<1000000x32xf32, #tpu.memory_space<hbm>>
      tpu.enqueue_indirect_dma source(%dma_start3A_91 : memref<1000000x32xf32, #tpu.memory_space<hbm>>) target(%dma_start3A_85 : memref<128x32xf32, #tpu.memory_space<vmem>>) offsets(%dma_start3A_88 : memref<128xi32, #tpu.memory_space<vmem>>) semaphore(%arg9 : memref<!tpu.dma_semaphore, #tpu.memory_space<semaphore_mem>>)
      %dma_wait3A = arith.constant 0 : i32
      %dma_wait3A_92 = arith.constant 0 : i32
      %dma_wait3A_93 = arith.constant 0 : i32
      %dma_wait3A_94 = tpu.memref_slice %arg8[%dma_wait3A_92, %dma_wait3A_93] : memref<1024x32xf32, #tpu.memory_space<vmem>> -> memref<128x32xf32, #tpu.memory_space<vmem>>
      %dma_wait3A_95 = arith.constant 0 : i32
      %dma_wait3A_96 = tpu.memref_slice %arg6[%dma_wait3A, %dma_wait3A_95] : memref<8x128xi32, #tpu.memory_space<vmem>> -> memref<1x128xi32, #tpu.memory_space<vmem>>
      %dma_wait3A_97 = tpu.memref_squeeze %dma_wait3A_96 : memref<1x128xi32, #tpu.memory_space<vmem>> -> memref<128xi32, #tpu.memory_space<vmem>>
      %dma_wait3A_98 = arith.constant 0 : i32
      %dma_wait3A_99 = arith.constant 0 : i32
      %dma_wait3A_100 = tpu.memref_slice %arg4[%dma_wait3A_98, %dma_wait3A_99] : memref<1000000x32xf32, #tpu.memory_space<hbm>> -> memref<1000000x32xf32, #tpu.memory_space<hbm>>
      tpu.wait_indirect_dma semaphore(%arg9 : memref<!tpu.dma_semaphore, #tpu.memory_space<semaphore_mem>>) src(%dma_wait3A_100 : memref<1000000x32xf32, #tpu.memory_space<hbm>>) dst(%dma_wait3A_94 : memref<128x32xf32, #tpu.memory_space<vmem>>)
      %dma_wait3A_101 = arith.constant 1 : i32
      %dma_wait3A_102 = arith.constant 128 : i32
      %dma_wait3A_103 = arith.constant 0 : i32
      %dma_wait3A_104 = tpu.memref_slice %arg8[%dma_wait3A_102, %dma_wait3A_103] : memref<1024x32xf32, #tpu.memory_space<vmem>> -> memref<128x32xf32, #tpu.memory_space<vmem>>
      %dma_wait3A_105 = arith.constant 0 : i32
      %dma_wait3A_106 = tpu.memref_slice %arg6[%dma_wait3A_101, %dma_wait3A_105] : memref<8x128xi32, #tpu.memory_space<vmem>> -> memref<1x128xi32, #tpu.memory_space<vmem>>
      %dma_wait3A_107 = tpu.memref_squeeze %dma_wait3A_106 : memref<1x128xi32, #tpu.memory_space<vmem>> -> memref<128xi32, #tpu.memory_space<vmem>>
      %dma_wait3A_108 = arith.constant 0 : i32
      %dma_wait3A_109 = arith.constant 0 : i32
      %dma_wait3A_110 = tpu.memref_slice %arg4[%dma_wait3A_108, %dma_wait3A_109] : memref<1000000x32xf32, #tpu.memory_space<hbm>> -> memref<1000000x32xf32, #tpu.memory_space<hbm>>
      tpu.wait_indirect_dma semaphore(%arg9 : memref<!tpu.dma_semaphore, #tpu.memory_space<semaphore_mem>>) src(%dma_wait3A_110 : memref<1000000x32xf32, #tpu.memory_space<hbm>>) dst(%dma_wait3A_104 : memref<128x32xf32, #tpu.memory_space<vmem>>)
      %dma_wait3A_111 = arith.constant 2 : i32
      %dma_wait3A_112 = arith.constant 256 : i32
      %dma_wait3A_113 = arith.constant 0 : i32
      %dma_wait3A_114 = tpu.memref_slice %arg8[%dma_wait3A_112, %dma_wait3A_113] : memref<1024x32xf32, #tpu.memory_space<vmem>> -> memref<128x32xf32, #tpu.memory_space<vmem>>
      %dma_wait3A_115 = arith.constant 0 : i32
      %dma_wait3A_116 = tpu.memref_slice %arg6[%dma_wait3A_111, %dma_wait3A_115] : memref<8x128xi32, #tpu.memory_space<vmem>> -> memref<1x128xi32, #tpu.memory_space<vmem>>
      %dma_wait3A_117 = tpu.memref_squeeze %dma_wait3A_116 : memref<1x128xi32, #tpu.memory_space<vmem>> -> memref<128xi32, #tpu.memory_space<vmem>>
      %dma_wait3A_118 = arith.constant 0 : i32
      %dma_wait3A_119 = arith.constant 0 : i32
      %dma_wait3A_120 = tpu.memref_slice %arg4[%dma_wait3A_118, %dma_wait3A_119] : memref<1000000x32xf32, #tpu.memory_space<hbm>> -> memref<1000000x32xf32, #tpu.memory_space<hbm>>
      tpu.wait_indirect_dma semaphore(%arg9 : memref<!tpu.dma_semaphore, #tpu.memory_space<semaphore_mem>>) src(%dma_wait3A_120 : memref<1000000x32xf32, #tpu.memory_space<hbm>>) dst(%dma_wait3A_114 : memref<128x32xf32, #tpu.memory_space<vmem>>)
      %dma_wait3A_121 = arith.constant 3 : i32
      %dma_wait3A_122 = arith.constant 384 : i32
      %dma_wait3A_123 = arith.constant 0 : i32
      %dma_wait3A_124 = tpu.memref_slice %arg8[%dma_wait3A_122, %dma_wait3A_123] : memref<1024x32xf32, #tpu.memory_space<vmem>> -> memref<128x32xf32, #tpu.memory_space<vmem>>
      %dma_wait3A_125 = arith.constant 0 : i32
      %dma_wait3A_126 = tpu.memref_slice %arg6[%dma_wait3A_121, %dma_wait3A_125] : memref<8x128xi32, #tpu.memory_space<vmem>> -> memref<1x128xi32, #tpu.memory_space<vmem>>
      %dma_wait3A_127 = tpu.memref_squeeze %dma_wait3A_126 : memref<1x128xi32, #tpu.memory_space<vmem>> -> memref<128xi32, #tpu.memory_space<vmem>>
      %dma_wait3A_128 = arith.constant 0 : i32
      %dma_wait3A_129 = arith.constant 0 : i32
      %dma_wait3A_130 = tpu.memref_slice %arg4[%dma_wait3A_128, %dma_wait3A_129] : memref<1000000x32xf32, #tpu.memory_space<hbm>> -> memref<1000000x32xf32, #tpu.memory_space<hbm>>
      tpu.wait_indirect_dma semaphore(%arg9 : memref<!tpu.dma_semaphore, #tpu.memory_space<semaphore_mem>>) src(%dma_wait3A_130 : memref<1000000x32xf32, #tpu.memory_space<hbm>>) dst(%dma_wait3A_124 : memref<128x32xf32, #tpu.memory_space<vmem>>)
      %dma_wait3A_131 = arith.constant 4 : i32
      %dma_wait3A_132 = arith.constant 512 : i32
      %dma_wait3A_133 = arith.constant 0 : i32
      %dma_wait3A_134 = tpu.memref_slice %arg8[%dma_wait3A_132, %dma_wait3A_133] : memref<1024x32xf32, #tpu.memory_space<vmem>> -> memref<128x32xf32, #tpu.memory_space<vmem>>
      %dma_wait3A_135 = arith.constant 0 : i32
      %dma_wait3A_136 = tpu.memref_slice %arg6[%dma_wait3A_131, %dma_wait3A_135] : memref<8x128xi32, #tpu.memory_space<vmem>> -> memref<1x128xi32, #tpu.memory_space<vmem>>
      %dma_wait3A_137 = tpu.memref_squeeze %dma_wait3A_136 : memref<1x128xi32, #tpu.memory_space<vmem>> -> memref<128xi32, #tpu.memory_space<vmem>>
      %dma_wait3A_138 = arith.constant 0 : i32
      %dma_wait3A_139 = arith.constant 0 : i32
      %dma_wait3A_140 = tpu.memref_slice %arg4[%dma_wait3A_138, %dma_wait3A_139] : memref<1000000x32xf32, #tpu.memory_space<hbm>> -> memref<1000000x32xf32, #tpu.memory_space<hbm>>
      tpu.wait_indirect_dma semaphore(%arg9 : memref<!tpu.dma_semaphore, #tpu.memory_space<semaphore_mem>>) src(%dma_wait3A_140 : memref<1000000x32xf32, #tpu.memory_space<hbm>>) dst(%dma_wait3A_134 : memref<128x32xf32, #tpu.memory_space<vmem>>)
      %dma_wait3A_141 = arith.constant 5 : i32
      %dma_wait3A_142 = arith.constant 640 : i32
      %dma_wait3A_143 = arith.constant 0 : i32
      %dma_wait3A_144 = tpu.memref_slice %arg8[%dma_wait3A_142, %dma_wait3A_143] : memref<1024x32xf32, #tpu.memory_space<vmem>> -> memref<128x32xf32, #tpu.memory_space<vmem>>
      %dma_wait3A_145 = arith.constant 0 : i32
      %dma_wait3A_146 = tpu.memref_slice %arg6[%dma_wait3A_141, %dma_wait3A_145] : memref<8x128xi32, #tpu.memory_space<vmem>> -> memref<1x128xi32, #tpu.memory_space<vmem>>
      %dma_wait3A_147 = tpu.memref_squeeze %dma_wait3A_146 : memref<1x128xi32, #tpu.memory_space<vmem>> -> memref<128xi32, #tpu.memory_space<vmem>>
      %dma_wait3A_148 = arith.constant 0 : i32
      %dma_wait3A_149 = arith.constant 0 : i32
      %dma_wait3A_150 = tpu.memref_slice %arg4[%dma_wait3A_148, %dma_wait3A_149] : memref<1000000x32xf32, #tpu.memory_space<hbm>> -> memref<1000000x32xf32, #tpu.memory_space<hbm>>
      tpu.wait_indirect_dma semaphore(%arg9 : memref<!tpu.dma_semaphore, #tpu.memory_space<semaphore_mem>>) src(%dma_wait3A_150 : memref<1000000x32xf32, #tpu.memory_space<hbm>>) dst(%dma_wait3A_144 : memref<128x32xf32, #tpu.memory_space<vmem>>)
      %dma_wait3A_151 = arith.constant 6 : i32
      %dma_wait3A_152 = arith.constant 768 : i32
      %dma_wait3A_153 = arith.constant 0 : i32
      %dma_wait3A_154 = tpu.memref_slice %arg8[%dma_wait3A_152, %dma_wait3A_153] : memref<1024x32xf32, #tpu.memory_space<vmem>> -> memref<128x32xf32, #tpu.memory_space<vmem>>
      %dma_wait3A_155 = arith.constant 0 : i32
      %dma_wait3A_156 = tpu.memref_slice %arg6[%dma_wait3A_151, %dma_wait3A_155] : memref<8x128xi32, #tpu.memory_space<vmem>> -> memref<1x128xi32, #tpu.memory_space<vmem>>
      %dma_wait3A_157 = tpu.memref_squeeze %dma_wait3A_156 : memref<1x128xi32, #tpu.memory_space<vmem>> -> memref<128xi32, #tpu.memory_space<vmem>>
      %dma_wait3A_158 = arith.constant 0 : i32
      %dma_wait3A_159 = arith.constant 0 : i32
      %dma_wait3A_160 = tpu.memref_slice %arg4[%dma_wait3A_158, %dma_wait3A_159] : memref<1000000x32xf32, #tpu.memory_space<hbm>> -> memref<1000000x32xf32, #tpu.memory_space<hbm>>
      tpu.wait_indirect_dma semaphore(%arg9 : memref<!tpu.dma_semaphore, #tpu.memory_space<semaphore_mem>>) src(%dma_wait3A_160 : memref<1000000x32xf32, #tpu.memory_space<hbm>>) dst(%dma_wait3A_154 : memref<128x32xf32, #tpu.memory_space<vmem>>)
      %dma_wait3A_161 = arith.constant 7 : i32
      %dma_wait3A_162 = arith.constant 896 : i32
      %dma_wait3A_163 = arith.constant 0 : i32
      %dma_wait3A_164 = tpu.memref_slice %arg8[%dma_wait3A_162, %dma_wait3A_163] : memref<1024x32xf32, #tpu.memory_space<vmem>> -> memref<128x32xf32, #tpu.memory_space<vmem>>
      %dma_wait3A_165 = arith.constant 0 : i32
      %dma_wait3A_166 = tpu.memref_slice %arg6[%dma_wait3A_161, %dma_wait3A_165] : memref<8x128xi32, #tpu.memory_space<vmem>> -> memref<1x128xi32, #tpu.memory_space<vmem>>
      %dma_wait3A_167 = tpu.memref_squeeze %dma_wait3A_166 : memref<1x128xi32, #tpu.memory_space<vmem>> -> memref<128xi32, #tpu.memory_space<vmem>>
      %dma_wait3A_168 = arith.constant 0 : i32
      %dma_wait3A_169 = arith.constant 0 : i32
      %dma_wait3A_170 = tpu.memref_slice %arg4[%dma_wait3A_168, %dma_wait3A_169] : memref<1000000x32xf32, #tpu.memory_space<hbm>> -> memref<1000000x32xf32, #tpu.memory_space<hbm>>
      tpu.wait_indirect_dma semaphore(%arg9 : memref<!tpu.dma_semaphore, #tpu.memory_space<semaphore_mem>>) src(%dma_wait3A_170 : memref<1000000x32xf32, #tpu.memory_space<hbm>>) dst(%dma_wait3A_164 : memref<128x32xf32, #tpu.memory_space<vmem>>)
      %scan3A_171 = arith.constant 0 : i32
      %scan3A_172 = arith.constant 0 : i32
      %scan3A_173 = arith.constant 64 : i32
      %scan3A_174 = arith.addi %scan3A_172, %scan3A_173 : i32
      %scan3A_175 = arith.constant 1 : i32
      scf.for %scan3A_179 = %scan3A_172 to %scan3A_174 step %scan3A_175  : i32 {
        %jit3A = arith.constant 8 : i32
        %div3A = arith.divsi %scan3A_179, %jit3A : i32
        %sign3A = arith.constant 0 : i32
        %sign3A_180 = arith.cmpi sgt, %scan3A_179, %sign3A : i32
        %sign3A_181 = arith.extui %sign3A_180 : i1 to i32
        %sign3A_182 = arith.constant 0 : i32
        %sign3A_183 = arith.cmpi slt, %scan3A_179, %sign3A_182 : i32
        %sign3A_184 = arith.extui %sign3A_183 : i1 to i32
        %sign3A_185 = arith.subi %sign3A_181, %sign3A_184 : i32
        %sign3A_186 = arith.constant 0 : i32
        %sign3A_187 = arith.cmpi sgt, %jit3A, %sign3A_186 : i32
        %sign3A_188 = arith.extui %sign3A_187 : i1 to i32
        %sign3A_189 = arith.constant 0 : i32
        %sign3A_190 = arith.cmpi slt, %jit3A, %sign3A_189 : i32
        %sign3A_191 = arith.extui %sign3A_190 : i1 to i32
        %sign3A_192 = arith.subi %sign3A_188, %sign3A_191 : i32
        %ne3A = arith.cmpi ne, %sign3A_185, %sign3A_192 : i32
        %rem3A = arith.remsi %scan3A_179, %jit3A : i32
        %ne3A_193 = arith.constant 0 : i32
        %ne3A_194 = arith.cmpi ne, %rem3A, %ne3A_193 : i32
        %and3A = arith.andi %ne3A, %ne3A_194 : i1
        %sub3A = arith.constant 1 : i32
        %sub3A_195 = arith.subi %div3A, %sub3A : i32
        %select_n3A = arith.select %and3A, %sub3A_195, %div3A : i32
        %jit3A_196 = arith.constant 8 : i32
        %eq3A = arith.constant 0 : i32
        %eq3A_197 = arith.cmpi eq, %jit3A_196, %eq3A : i32
        %jit3A_198 = arith.constant 1 : i32
        %select_n3A_199 = arith.select %eq3A_197, %jit3A_198, %jit3A_196 : i32
        %rem3A_200 = arith.remsi %scan3A_179, %select_n3A_199 : i32
        %ne3A_201 = arith.constant 0 : i32
        %ne3A_202 = arith.cmpi ne, %rem3A_200, %ne3A_201 : i32
        %lt3A = arith.constant 0 : i32
        %lt3A_203 = arith.cmpi slt, %rem3A_200, %lt3A : i32
        %lt3A_204 = arith.constant 0 : i32
        %lt3A_205 = arith.cmpi slt, %select_n3A_199, %lt3A_204 : i32
        %ne3A_206 = arith.xori %lt3A_203, %lt3A_205 : i1
        %and3A_207 = arith.andi %ne3A_206, %ne3A_202 : i1
        %add3A_208 = arith.addi %rem3A_200, %select_n3A_199 : i32
        %select_n3A_209 = arith.select %and3A_207, %add3A_208, %rem3A_200 : i32
        %mul3A_210 = arith.constant 16 : i32
        %mul3A_211 = arith.muli %select_n3A_209, %mul3A_210 : i32
        %get3A = arith.index_cast %select_n3A : i32 to index
        %get3A_212 = arith.index_cast %mul3A_211 : i32 to index
        %get3A_213 = tpu.vector_load %arg7[%get3A, %get3A_212] {strides = array<i32>} : memref<8x128xi32, #tpu.memory_space<vmem>>, vector<16xi32>,
        %eq3A_214 = arith.constant 0 : i32
        %eq3A_215 = vector.broadcast %eq3A_214 : i32 to vector<16xi32>
        %eq3A_216 = arith.cmpi eq, %get3A_213, %eq3A_215 : vector<16xi32>
        %mul3A_217 = arith.constant 16 : i32
        %mul3A_218 = arith.muli %scan3A_179, %mul3A_217 : i32
        %add3A_219 = vector.broadcast %mul3A_218 : i32 to vector<16xi32>
        %add3A_220 = arith.addi %iota3A, %add3A_219 : vector<16xi32>
        %broadcast_in_dim3A_221 = arith.constant 0 : i32
        %broadcast_in_dim3A_222 = vector.broadcast %broadcast_in_dim3A_221 : i32 to vector<16xi32>
        tpu.vector_store_idx %arg8[%add3A_220, %broadcast_in_dim3A_222], %broadcast_in_dim3A_3 masked %eq3A_216 : memref<1024x32xf32, #tpu.memory_space<vmem>>[vector<16xi32>, vector<16xi32>], vector<16xf32>, vector<16xi1>
        %add3A_223 = arith.constant 1 : i32
        %add3A_224 = vector.broadcast %add3A_223 : i32 to vector<16xi32>
        %add3A_225 = arith.addi %broadcast_in_dim3A_222, %add3A_224 : vector<16xi32>
        tpu.vector_store_idx %arg8[%add3A_220, %add3A_225], %broadcast_in_dim3A_3 masked %eq3A_216 : memref<1024x32xf32, #tpu.memory_space<vmem>>[vector<16xi32>, vector<16xi32>], vector<16xf32>, vector<16xi1>
        %add3A_226 = arith.constant 1 : i32
        %add3A_227 = vector.broadcast %add3A_226 : i32 to vector<16xi32>
        %add3A_228 = arith.addi %add3A_225, %add3A_227 : vector<16xi32>
        tpu.vector_store_idx %arg8[%add3A_220, %add3A_228], %broadcast_in_dim3A_3 masked %eq3A_216 : memref<1024x32xf32, #tpu.memory_space<vmem>>[vector<16xi32>, vector<16xi32>], vector<16xf32>, vector<16xi1>
        %add3A_229 = arith.constant 1 : i32
        %add3A_230 = vector.broadcast %add3A_229 : i32 to vector<16xi32>
        %add3A_231 = arith.addi %add3A_228, %add3A_230 : vector<16xi32>
        tpu.vector_store_idx %arg8[%add3A_220, %add3A_231], %broadcast_in_dim3A_3 masked %eq3A_216 : memref<1024x32xf32, #tpu.memory_space<vmem>>[vector<16xi32>, vector<16xi32>], vector<16xf32>, vector<16xi1>
        %add3A_232 = arith.constant 1 : i32
        %add3A_233 = vector.broadcast %add3A_232 : i32 to vector<16xi32>
        %add3A_234 = arith.addi %add3A_231, %add3A_233 : vector<16xi32>
        tpu.vector_store_idx %arg8[%add3A_220, %add3A_234], %broadcast_in_dim3A_3 masked %eq3A_216 : memref<1024x32xf32, #tpu.memory_space<vmem>>[vector<16xi32>, vector<16xi32>], vector<16xf32>, vector<16xi1>
        %add3A_235 = arith.constant 1 : i32
        %add3A_236 = vector.broadcast %add3A_235 : i32 to vector<16xi32>
        %add3A_237 = arith.addi %add3A_234, %add3A_236 : vector<16xi32>
        tpu.vector_store_idx %arg8[%add3A_220, %add3A_237], %broadcast_in_dim3A_3 masked %eq3A_216 : memref<1024x32xf32, #tpu.memory_space<vmem>>[vector<16xi32>, vector<16xi32>], vector<16xf32>, vector<16xi1>
        %add3A_238 = arith.constant 1 : i32
        %add3A_239 = vector.broadcast %add3A_238 : i32 to vector<16xi32>
        %add3A_240 = arith.addi %add3A_237, %add3A_239 : vector<16xi32>
        tpu.vector_store_idx %arg8[%add3A_220, %add3A_240], %broadcast_in_dim3A_3 masked %eq3A_216 : memref<1024x32xf32, #tpu.memory_space<vmem>>[vector<16xi32>, vector<16xi32>], vector<16xf32>, vector<16xi1>
        %add3A_241 = arith.constant 1 : i32
        %add3A_242 = vector.broadcast %add3A_241 : i32 to vector<16xi32>
        %add3A_243 = arith.addi %add3A_240, %add3A_242 : vector<16xi32>
        tpu.vector_store_idx %arg8[%add3A_220, %add3A_243], %broadcast_in_dim3A_3 masked %eq3A_216 : memref<1024x32xf32, #tpu.memory_space<vmem>>[vector<16xi32>, vector<16xi32>], vector<16xf32>, vector<16xi1>
        %add3A_244 = arith.constant 1 : i32
        %add3A_245 = vector.broadcast %add3A_244 : i32 to vector<16xi32>
        %add3A_246 = arith.addi %add3A_243, %add3A_245 : vector<16xi32>
        tpu.vector_store_idx %arg8[%add3A_220, %add3A_246], %broadcast_in_dim3A_3 masked %eq3A_216 : memref<1024x32xf32, #tpu.memory_space<vmem>>[vector<16xi32>, vector<16xi32>], vector<16xf32>, vector<16xi1>
        %add3A_247 = arith.constant 1 : i32
        %add3A_248 = vector.broadcast %add3A_247 : i32 to vector<16xi32>
        %add3A_249 = arith.addi %add3A_246, %add3A_248 : vector<16xi32>
        tpu.vector_store_idx %arg8[%add3A_220, %add3A_249], %broadcast_in_dim3A_3 masked %eq3A_216 : memref<1024x32xf32, #tpu.memory_space<vmem>>[vector<16xi32>, vector<16xi32>], vector<16xf32>, vector<16xi1>
        %add3A_250 = arith.constant 1 : i32
        %add3A_251 = vector.broadcast %add3A_250 : i32 to vector<16xi32>
        %add3A_252 = arith.addi %add3A_249, %add3A_251 : vector<16xi32>
        tpu.vector_store_idx %arg8[%add3A_220, %add3A_252], %broadcast_in_dim3A_3 masked %eq3A_216 : memref<1024x32xf32, #tpu.memory_space<vmem>>[vector<16xi32>, vector<16xi32>], vector<16xf32>, vector<16xi1>
        %add3A_253 = arith.constant 1 : i32
        %add3A_254 = vector.broadcast %add3A_253 : i32 to vector<16xi32>
        %add3A_255 = arith.addi %add3A_252, %add3A_254 : vector<16xi32>
        tpu.vector_store_idx %arg8[%add3A_220, %add3A_255], %broadcast_in_dim3A_3 masked %eq3A_216 : memref<1024x32xf32, #tpu.memory_space<vmem>>[vector<16xi32>, vector<16xi32>], vector<16xf32>, vector<16xi1>
        %add3A_256 = arith.constant 1 : i32
        %add3A_257 = vector.broadcast %add3A_256 : i32 to vector<16xi32>
        %add3A_258 = arith.addi %add3A_255, %add3A_257 : vector<16xi32>
        tpu.vector_store_idx %arg8[%add3A_220, %add3A_258], %broadcast_in_dim3A_3 masked %eq3A_216 : memref<1024x32xf32, #tpu.memory_space<vmem>>[vector<16xi32>, vector<16xi32>], vector<16xf32>, vector<16xi1>
        %add3A_259 = arith.constant 1 : i32
        %add3A_260 = vector.broadcast %add3A_259 : i32 to vector<16xi32>
        %add3A_261 = arith.addi %add3A_258, %add3A_260 : vector<16xi32>
        tpu.vector_store_idx %arg8[%add3A_220, %add3A_261], %broadcast_in_dim3A_3 masked %eq3A_216 : memref<1024x32xf32, #tpu.memory_space<vmem>>[vector<16xi32>, vector<16xi32>], vector<16xf32>, vector<16xi1>
        %add3A_262 = arith.constant 1 : i32
        %add3A_263 = vector.broadcast %add3A_262 : i32 to vector<16xi32>
        %add3A_264 = arith.addi %add3A_261, %add3A_263 : vector<16xi32>
        tpu.vector_store_idx %arg8[%add3A_220, %add3A_264], %broadcast_in_dim3A_3 masked %eq3A_216 : memref<1024x32xf32, #tpu.memory_space<vmem>>[vector<16xi32>, vector<16xi32>], vector<16xf32>, vector<16xi1>
        %add3A_265 = arith.constant 1 : i32
        %add3A_266 = vector.broadcast %add3A_265 : i32 to vector<16xi32>
        %add3A_267 = arith.addi %add3A_264, %add3A_266 : vector<16xi32>
        tpu.vector_store_idx %arg8[%add3A_220, %add3A_267], %broadcast_in_dim3A_3 masked %eq3A_216 : memref<1024x32xf32, #tpu.memory_space<vmem>>[vector<16xi32>, vector<16xi32>], vector<16xf32>, vector<16xi1>
        %add3A_268 = arith.constant 1 : i32
        %add3A_269 = vector.broadcast %add3A_268 : i32 to vector<16xi32>
        %add3A_270 = arith.addi %add3A_267, %add3A_269 : vector<16xi32>
        tpu.vector_store_idx %arg8[%add3A_220, %add3A_270], %broadcast_in_dim3A_3 masked %eq3A_216 : memref<1024x32xf32, #tpu.memory_space<vmem>>[vector<16xi32>, vector<16xi32>], vector<16xf32>, vector<16xi1>
        %add3A_271 = arith.constant 1 : i32
        %add3A_272 = vector.broadcast %add3A_271 : i32 to vector<16xi32>
        %add3A_273 = arith.addi %add3A_270, %add3A_272 : vector<16xi32>
        tpu.vector_store_idx %arg8[%add3A_220, %add3A_273], %broadcast_in_dim3A_3 masked %eq3A_216 : memref<1024x32xf32, #tpu.memory_space<vmem>>[vector<16xi32>, vector<16xi32>], vector<16xf32>, vector<16xi1>
        %add3A_274 = arith.constant 1 : i32
        %add3A_275 = vector.broadcast %add3A_274 : i32 to vector<16xi32>
        %add3A_276 = arith.addi %add3A_273, %add3A_275 : vector<16xi32>
        tpu.vector_store_idx %arg8[%add3A_220, %add3A_276], %broadcast_in_dim3A_3 masked %eq3A_216 : memref<1024x32xf32, #tpu.memory_space<vmem>>[vector<16xi32>, vector<16xi32>], vector<16xf32>, vector<16xi1>
        %add3A_277 = arith.constant 1 : i32
        %add3A_278 = vector.broadcast %add3A_277 : i32 to vector<16xi32>
        %add3A_279 = arith.addi %add3A_276, %add3A_278 : vector<16xi32>
        tpu.vector_store_idx %arg8[%add3A_220, %add3A_279], %broadcast_in_dim3A_3 masked %eq3A_216 : memref<1024x32xf32, #tpu.memory_space<vmem>>[vector<16xi32>, vector<16xi32>], vector<16xf32>, vector<16xi1>
        %add3A_280 = arith.constant 1 : i32
        %add3A_281 = vector.broadcast %add3A_280 : i32 to vector<16xi32>
        %add3A_282 = arith.addi %add3A_279, %add3A_281 : vector<16xi32>
        tpu.vector_store_idx %arg8[%add3A_220, %add3A_282], %broadcast_in_dim3A_3 masked %eq3A_216 : memref<1024x32xf32, #tpu.memory_space<vmem>>[vector<16xi32>, vector<16xi32>], vector<16xf32>, vector<16xi1>
        %add3A_283 = arith.constant 1 : i32
        %add3A_284 = vector.broadcast %add3A_283 : i32 to vector<16xi32>
        %add3A_285 = arith.addi %add3A_282, %add3A_284 : vector<16xi32>
        tpu.vector_store_idx %arg8[%add3A_220, %add3A_285], %broadcast_in_dim3A_3 masked %eq3A_216 : memref<1024x32xf32, #tpu.memory_space<vmem>>[vector<16xi32>, vector<16xi32>], vector<16xf32>, vector<16xi1>
        %add3A_286 = arith.constant 1 : i32
        %add3A_287 = vector.broadcast %add3A_286 : i32 to vector<16xi32>
        %add3A_288 = arith.addi %add3A_285, %add3A_287 : vector<16xi32>
        tpu.vector_store_idx %arg8[%add3A_220, %add3A_288], %broadcast_in_dim3A_3 masked %eq3A_216 : memref<1024x32xf32, #tpu.memory_space<vmem>>[vector<16xi32>, vector<16xi32>], vector<16xf32>, vector<16xi1>
        %add3A_289 = arith.constant 1 : i32
        %add3A_290 = vector.broadcast %add3A_289 : i32 to vector<16xi32>
        %add3A_291 = arith.addi %add3A_288, %add3A_290 : vector<16xi32>
        tpu.vector_store_idx %arg8[%add3A_220, %add3A_291], %broadcast_in_dim3A_3 masked %eq3A_216 : memref<1024x32xf32, #tpu.memory_space<vmem>>[vector<16xi32>, vector<16xi32>], vector<16xf32>, vector<16xi1>
        %add3A_292 = arith.constant 1 : i32
        %add3A_293 = vector.broadcast %add3A_292 : i32 to vector<16xi32>
        %add3A_294 = arith.addi %add3A_291, %add3A_293 : vector<16xi32>
        tpu.vector_store_idx %arg8[%add3A_220, %add3A_294], %broadcast_in_dim3A_3 masked %eq3A_216 : memref<1024x32xf32, #tpu.memory_space<vmem>>[vector<16xi32>, vector<16xi32>], vector<16xf32>, vector<16xi1>
        %add3A_295 = arith.constant 1 : i32
        %add3A_296 = vector.broadcast %add3A_295 : i32 to vector<16xi32>
        %add3A_297 = arith.addi %add3A_294, %add3A_296 : vector<16xi32>
        tpu.vector_store_idx %arg8[%add3A_220, %add3A_297], %broadcast_in_dim3A_3 masked %eq3A_216 : memref<1024x32xf32, #tpu.memory_space<vmem>>[vector<16xi32>, vector<16xi32>], vector<16xf32>, vector<16xi1>
        %add3A_298 = arith.constant 1 : i32
        %add3A_299 = vector.broadcast %add3A_298 : i32 to vector<16xi32>
        %add3A_300 = arith.addi %add3A_297, %add3A_299 : vector<16xi32>
        tpu.vector_store_idx %arg8[%add3A_220, %add3A_300], %broadcast_in_dim3A_3 masked %eq3A_216 : memref<1024x32xf32, #tpu.memory_space<vmem>>[vector<16xi32>, vector<16xi32>], vector<16xf32>, vector<16xi1>
        %add3A_301 = arith.constant 1 : i32
        %add3A_302 = vector.broadcast %add3A_301 : i32 to vector<16xi32>
        %add3A_303 = arith.addi %add3A_300, %add3A_302 : vector<16xi32>
        tpu.vector_store_idx %arg8[%add3A_220, %add3A_303], %broadcast_in_dim3A_3 masked %eq3A_216 : memref<1024x32xf32, #tpu.memory_space<vmem>>[vector<16xi32>, vector<16xi32>], vector<16xf32>, vector<16xi1>
        %add3A_304 = arith.constant 1 : i32
        %add3A_305 = vector.broadcast %add3A_304 : i32 to vector<16xi32>
        %add3A_306 = arith.addi %add3A_303, %add3A_305 : vector<16xi32>
        tpu.vector_store_idx %arg8[%add3A_220, %add3A_306], %broadcast_in_dim3A_3 masked %eq3A_216 : memref<1024x32xf32, #tpu.memory_space<vmem>>[vector<16xi32>, vector<16xi32>], vector<16xf32>, vector<16xi1>
        %add3A_307 = arith.constant 1 : i32
        %add3A_308 = vector.broadcast %add3A_307 : i32 to vector<16xi32>
        %add3A_309 = arith.addi %add3A_306, %add3A_308 : vector<16xi32>
        tpu.vector_store_idx %arg8[%add3A_220, %add3A_309], %broadcast_in_dim3A_3 masked %eq3A_216 : memref<1024x32xf32, #tpu.memory_space<vmem>>[vector<16xi32>, vector<16xi32>], vector<16xf32>, vector<16xi1>
        %add3A_310 = arith.constant 1 : i32
        %add3A_311 = vector.broadcast %add3A_310 : i32 to vector<16xi32>
        %add3A_312 = arith.addi %add3A_309, %add3A_311 : vector<16xi32>
        tpu.vector_store_idx %arg8[%add3A_220, %add3A_312], %broadcast_in_dim3A_3 masked %eq3A_216 : memref<1024x32xf32, #tpu.memory_space<vmem>>[vector<16xi32>, vector<16xi32>], vector<16xf32>, vector<16xi1>
        %add3A_313 = arith.constant 1 : i32
        %add3A_314 = vector.broadcast %add3A_313 : i32 to vector<16xi32>
        %add3A_315 = arith.addi %add3A_312, %add3A_314 : vector<16xi32>
        tpu.vector_store_idx %arg8[%add3A_220, %add3A_315], %broadcast_in_dim3A_3 masked %eq3A_216 : memref<1024x32xf32, #tpu.memory_space<vmem>>[vector<16xi32>, vector<16xi32>], vector<16xf32>, vector<16xi1>
        %add3A_316 = arith.constant 1 : i32
        %add3A_317 = vector.broadcast %add3A_316 : i32 to vector<16xi32>
        %add3A_318 = arith.addi %add3A_315, %add3A_317 : vector<16xi32>
      }
      %scan3A_176 = arith.constant 64 : i32
      %mul3A_177 = arith.constant 128 : i32
      %mul3A_178 = arith.muli %add3A_12, %mul3A_177 : i32
      "tpu.region"() ({
        %run_scoped3A = tpu.sem_alloc : memref<!tpu.dma_semaphore, #tpu.memory_space<semaphore_mem>>
        %dma_start3A_179 = arith.constant 0 : i32
        %dma_start3A_180 = tpu.memref_slice %arg5[%mul3A_178, %dma_start3A_179] : memref<819200x32xf32, #tpu.memory_space<hbm>> -> memref<1024x32xf32, #tpu.memory_space<hbm>>
        %dma_start3A_181 = arith.constant 0 : i32
        %dma_start3A_182 = tpu.memref_slice %arg5[%mul3A_178, %dma_start3A_181] : memref<819200x32xf32, #tpu.memory_space<hbm>> -> memref<1024x32xf32, #tpu.memory_space<hbm>>
        tpu.enqueue_dma source(%arg8 : memref<1024x32xf32, #tpu.memory_space<vmem>>) target(%dma_start3A_182 : memref<1024x32xf32, #tpu.memory_space<hbm>>) target_semaphore(%run_scoped3A : memref<!tpu.dma_semaphore, #tpu.memory_space<semaphore_mem>>)
        %dma_wait3A_183 = arith.constant 0 : i32
        %dma_wait3A_184 = tpu.memref_slice %arg5[%mul3A_178, %dma_wait3A_183] : memref<819200x32xf32, #tpu.memory_space<hbm>> -> memref<1024x32xf32, #tpu.memory_space<hbm>>
        %dma_wait3A_185 = arith.constant 0 : i32
        %dma_wait3A_186 = tpu.memref_slice %arg5[%mul3A_178, %dma_wait3A_185] : memref<819200x32xf32, #tpu.memory_space<hbm>> -> memref<1024x32xf32, #tpu.memory_space<hbm>>
        tpu.wait_dma2 semaphore(%run_scoped3A : memref<!tpu.dma_semaphore, #tpu.memory_space<semaphore_mem>>) src(%arg8 : memref<1024x32xf32, #tpu.memory_space<vmem>>) dst(%dma_wait3A_186 : memref<1024x32xf32, #tpu.memory_space<hbm>>)
        tpu.yield
      }) : () -> ()
    }
    %scan3A_8 = arith.constant 25 : i32
    return
  }
}

</mosaic_0001>

<sc_bundles>
// kernel: masked_embedding_gather.3.cloned.1.call-start
scs
__scs_entry_jumppad:
0x0: {  	(pc) =	sbr.rel $0x88, $3  }
0x1: {  	(tag) =	ssettag $0x0;
	lr =	simm.s32 $0x1  }
0x2: {  	[smem:$0x3F9E] =	sst lr;
	_ =	strace $0xD0000000  }
0x3: {  	_ = 	snop  }
0x4: {  	_ = 	snop  }
0x5: {  	_ = 	snop  }
0x6: {  	_ = 	snop  }
0x7: {  	_ = 	snop  }
__scs_overlays_trampoline_lowered:
0x8: {  	[smem:$0x3FAD] =	sst s0  }
0x9: {  	[smem:$0x3FAE] =	sst s1  }
0xa: {  	[smem:$0x3FAF] =	sst s2  }
0xb: {  	[smem:$0x3FB0] =	sst s3  }
0xc: {  	[smem:$0x3FB1] =	sst s4  }
0xd: {  	[smem:$0x3FB2] =	sst s5  }
0xe: {  	[smem:$0x3FB3] =	sst s6  }
0xf: {  	[smem:$0x3FB4] =	sst s7  }
0x10: {  	[smem:$0x3FB5] =	sst s8  }
0x11: {  	[smem:$0x3FB6] =	sst s9;
	s0 =	simm.s32 @!p0 $0x0  }
0x12: {  	s1 =	sld [smem:$0x3F9C];
	s0 =	simm.s32 @p0 $0x1  }
0x13: {  	[smem:$0x3FB7] =	sst s0;
	s0 =	simm.s32 @!p1 $0x0  }
0x14: {  	s2 =	sld [smem:$0x3F9B];
	s0 =	simm.s32 @p1 $0x1  }
0x15: {  	[smem:$0x3FB8] =	sst s0;
	s0 =	simm.s32 @!p2 $0x0  }
0x16: {  	s3 =	sld [smem:$0x3FDB];
	s0 =	simm.s32 @p2 $0x1  }
0x17: {  	s4 =	simm.s32 $0x1BF5;
	[smem:$0x3FBA] =	sst s0  }
0x18: {  	s0 =	sld [smem:$0x3F9D];
	_ =	swait.ge [sflag:s4], $0x0  }
0x19: {  	s7 =	sld [smem:$0x3F9E]  }
0x1a: {  	s8 =	sadd.s32 $0xFFFFE003, lr  }
0x1b: {  	s9 =	sadd.s32 $0xFFFFFEF7, lr;
	s5 =	simm.s32 $0xFFFFFFFF;
	p2 =	slt.u32 s8, $0xFFFFF086  }
0x1c: {  	p1 =	slt.u32 s9, $0xF7A;
	s5 =	simm.s32 @!p2 $0x0  }
0x1d: {  	s5 =	simm.s32 @p1 $0x1;
	p0 =	seq.s32 s7, s2  }
0x1e: {  	s7 =	smul.u32 @!p0 $0xF7A, s2;
	p2 =	seq.s32 @!p0 s5, $0x0  }
0x1f: {  	s9 =	smul.u32 $0xF7A, s1;
	s8 =	simm.s32 @!p0 $0x1BF5;
	p2 =	por !p2, p0  }
0x20: {  	[sflag:s8] =	ssyncset.s32 @!p0 $0xFFFFF086;
	s6 =	sadd.s32 @!p0 s3, s7;
	s7 =	simm.s32 @!p0 $0x108  }
0x21: {  	s3 =	sadd.s32 s3, s9;
	s6 =	sadd.s32 @!p0 $0x88, s6;
	s7 =	simm.s32 @p2 $0x1082  }
0x22: {  	[simem:s7], [sflag:s8] =	dma.local @!p0 [hbm:s6], $0xF7A  }
0x23: {  	s9 =	sor.u32 $0xD0000000, s2;
	s6 =	simm.s32 $0x108;
	_ =	swait.ge @!p0 [sflag:s8], $0x0  }
0x24: {  	s3 =	sadd.s32 $0x88, s3;
	s6 =	simm.s32 @!p1 $0x1082;
	[sflag:s4] =	ssyncset.s32 $0xFFFFF086  }
0x25: {  	[simem:s6], [sflag:s4] =	dma.local [hbm:s3], $0xF7A  }
0x26: {  	[smem:$0x3F9E] =	sst s1;
	(tag) =	ssettag s2;
	_ =	strace s9  }
0x27: {  	s1 =	sld [smem:$0x3FAE]  }
0x28: {  	s2 =	sld [smem:$0x3FAF]  }
0x29: {  	s4 =	sld [smem:$0x3FB1]  }
0x2a: {  	p0 =	seq.s32 s5, $0x0;
	s5 =	sld [smem:$0x3FB2]  }
0x2b: {  	s6 =	sld [smem:$0x3FB3]  }
0x2c: {  	s7 =	sld [smem:$0x3FB4]  }
0x2d: {  	s3 =	simm.s32 $0x108;
	s8 =	sld [smem:$0x3FB5]  }
0x2e: {  	s3 =	simm.s32 @!p0 $0x1082;
	s9 =	sld [smem:$0x3FB6]  }
0x2f: {  	lr =	sadd.s32 s0, s3;
	s0 =	sld [smem:$0x3FAD]  }
0x30: {  	s3 =	sld [smem:$0x3FB0]  }
0x31: {  	[smem:$0x3FB9] =	sst s10  }
0x32: {  	s10 =	sld [smem:$0x3FB7];
	_ =	sdelay $0x3  }
0x33: {  	p0 =	seq.s32 s10, $0x1;
	s10 =	sld [smem:$0x3FB9];
	_ =	sdelay $0x3  }
0x34: {  	[smem:$0x3FB9] =	sst s10  }
0x35: {  	s10 =	sld [smem:$0x3FB8];
	_ =	sdelay $0x3  }
0x36: {  	p1 =	seq.s32 s10, $0x1;
	s10 =	sld [smem:$0x3FB9];
	_ =	sdelay $0x3  }
0x37: {  	[smem:$0x3FB9] =	sst s10  }
0x38: {  	s10 =	sld [smem:$0x3FBA]  }
0x39: {  	_ = 	snop;
	(pc) =	sbr.ind lr, $3  }
0x3a: {  	_ = 	snop  }
0x3b: {  	_ = 	snop  }
0x3c: {  	p2 =	seq.s32 s10, $0x1;
	s10 =	sld [smem:$0x3FB9]  }
0x3d: {  	_ =	shalt  }
0x3e: {  	_ =	shalt  }
0x3f: {  	_ =	shalt  }
0x40: {  	_ =	shalt  }
0x41: {  	_ =	shalt  }
0x42: {  	_ =	shalt  }
0x43: {  	_ =	shalt  }
0x44: {  	_ =	shalt  }
0x45: {  	_ =	shalt  }
0x46: {  	_ =	shalt  }
0x47: {  	_ =	shalt  }
0x48: {  	_ =	shalt  }
0x49: {  	_ =	shalt  }
0x4a: {  	_ =	shalt  }
0x4b: {  	_ =	shalt  }
0x4c: {  	_ =	shalt  }
0x4d: {  	_ =	shalt  }
0x4e: {  	_ =	shalt  }
0x4f: {  	_ =	shalt  }
0x50: {  	_ =	shalt  }
0x51: {  	_ =	shalt  }
0x52: {  	_ =	shalt  }
0x53: {  	_ =	shalt  }
0x54: {  	_ =	shalt  }
0x55: {  	_ =	shalt  }
0x56: {  	_ =	shalt  }
0x57: {  	_ =	shalt  }
0x58: {  	_ =	shalt  }
0x59: {  	_ =	shalt  }
0x5a: {  	_ =	shalt  }
0x5b: {  	_ =	shalt  }
0x5c: {  	_ =	shalt  }
0x5d: {  	_ =	shalt  }
0x5e: {  	_ =	shalt  }
0x5f: {  	_ =	shalt  }
0x60: {  	_ =	shalt  }
0x61: {  	_ =	shalt  }
0x62: {  	_ =	shalt  }
0x63: {  	_ =	shalt  }
0x64: {  	_ =	shalt  }
0x65: {  	_ =	shalt  }
0x66: {  	_ =	shalt  }
0x67: {  	_ =	shalt  }
0x68: {  	_ =	shalt  }
0x69: {  	_ =	shalt  }
0x6a: {  	_ =	shalt  }
0x6b: {  	_ =	shalt  }
0x6c: {  	_ =	shalt  }
0x6d: {  	_ =	shalt  }
0x6e: {  	_ =	shalt  }
0x6f: {  	_ =	shalt  }
0x70: {  	_ =	shalt  }
0x71: {  	_ =	shalt  }
0x72: {  	_ =	shalt  }
0x73: {  	_ =	shalt  }
0x74: {  	_ =	shalt  }
0x75: {  	_ =	shalt  }
0x76: {  	_ =	shalt  }
0x77: {  	_ =	shalt  }
0x78: {  	_ =	shalt  }
0x79: {  	_ =	shalt  }
0x7a: {  	_ =	shalt  }
0x7b: {  	_ =	shalt  }
0x7c: {  	_ =	shalt  }
0x7d: {  	_ =	shalt  }
0x7e: {  	_ =	shalt  }
0x7f: {  	_ =	shalt  }
0x80: {  	_ =	shalt  }
0x81: {  	_ =	shalt  }
0x82: {  	_ =	shalt  }
0x83: {  	_ =	shalt  }
0x84: {  	_ =	shalt  }
0x85: {  	_ =	shalt  }
0x86: {  	_ =	shalt  }
0x87: {  	_ =	shalt  }
.Lfunc_end0:
.L_simem_size_0:
called_computation.1_lowered:
.L_overlay_start_0:
0x88: {  	s2 =	sld [smem:$0x3FD9]  }
0x89: {  	s3 =	sld [smem:$0x3FFE];
	_ =	sdelay $0x1  }
0x8a: {  	s1 =	srdreg.scid  }
0x8b: {  	s0 =	sand.u32 $0x1, s1  }
0x8c: {  	s17 =	sshll.u32 s0, $0xA;
	s2 =	sadd.s32 s3, s2  }
0x8d: {  	s2 =	sadd.s32 s2, s17  }
0x8e: {  	[smem:$0x3FC5] =	sst s2  }
0x8f: {  	_ = 	snop  }
0x90: {  	s2 =	sld [smem:$0x3FC9]  }
0x91: {  	s18 =	sld [smem:$0x3FC8]  }
0x92: {  	s4 =	sld [smem:$0x3FD0];
	(tm) =	ssettm $0x1  }
0x93: {  	s5 =	sld [smem:$0x3FFB];
	_ =	sdelay $0x3  }
0x94: {  	_ =	strace s5  }
0x95: {  	s5 =	sld [smem:$0x3FFC];
	_ =	sdelay $0x3  }
0x96: {  	_ =	strace s5  }
0x97: {  	s5 =	sld [smem:$0x3FFD];
	_ =	sdelay $0x3  }
0x98: {  	_ =	strace s5  }
0x99: {  	_ =	strace $0x8FFFFFFF  }
0x9a: {  	s19 =	sld [smem:$0x3FDB];
	_ =	sdelay $0x1  }
0x9b: {  	s6 =	simm.s32 $_scs_section_size  }
0x9c: {  	s7 =	simm.s32 $_size__tile_overlayer_lowered;
	s8 =	simm.s32 $_tile_overlayer_lowered  }
0x9d: {  	s22 =	simm.s32 $0x1BFF;
	s21 =	sshll.u32 s8, $0x1;
	s5 =	sadd.s32 s6, s19  }
0x9e: {  	s9 =	simm.s32 $0x0;
	s20 =	sshll.u32 s7, $0x1;
	s7 =	sadd.s32 s21, s5  }
0x9f: {  	[timem:s9], [sflag:s22] =	dma.local [hbm:s7], s20  }
0xa0: {  	_ =	swait.ge [sflag:s22], s20  }
0xa1: {  	s6 =	ssub.s32 $0x0, s20;
	[sflag:s22] =	ssyncset.done $0x0  }
0xa2: {  	[sflag:s22] =	ssyncadd.s32 s6;
	_ =	sdelay $0x1  }
0xa3: {  	s23 =	simm.s32 $0x1B8B  }
0xa4: {  	_ =	swait.ge [sflag:s23], $0x1  }
0xa5: {  	[sflag:s23] =	ssyncset.done $0x0  }
0xa6: {  	s25 =	simm.s32 $0x1B8E;
	s24 =	sld [smem:$0x3FFE];
	[sflag:s23] =	ssyncadd.s32 $0xFFFFFFFF  }
0xa7: {  	s26 =	simm.s32 $execute0_lowered;
	[smem:$0x3FD2] =	sst s25  }
0xa8: {  	s7 =	sshll.u32 s26, $0x1;
	_ =	strace $0x80000046;
	[dreg:$0x1] =	wrdreg $0xFFFFFFFF  }
0xa9: {  	s28 =	simm.s32 $_size_execute0_lowered;
	s5 =	sadd.s32 s5, s7;
	[dreg:$0x0] =	wrdreg $0x0  }
0xaa: {  	s7 =	sshll.u32 s28, $0x1;
	[dreg:$0x2] =	wrdreg s5  }
0xab: {  	[dreg:$0x3] =	wrdreg s7  }
0xac: {  	[dreg:$0x4] =	wrdreg $0xC0  }
0xad: {  	_ =	task [dreg:s9], $0x5FFFF  }
0xae: {  	[dreg:$0x1] =	wrdreg $0xFFFFFFFF  }
0xaf: {  	[dreg:$0x0] =	wrdreg $0x60  }
0xb0: {  	[dreg:$0x2] =	wrdreg s2  }
0xb1: {  	[dreg:$0x3] =	wrdreg s18  }
0xb2: {  	[dreg:$0x4] =	wrdreg s24  }
0xb3: {  	[dreg:$0x5] =	wrdreg s4  }
0xb4: {  	[dreg:$0x6] =	wrdreg $0x9  }
0xb5: {  	_ =	task.clear_ibuf [dreg:s9], $0x7FFFF;
	_ =	strace $0x90000046  }
0xb6: {  	s29 =	simm.s32 $0x9;
	_ =	strace $0x80000048  }
0xb7: {  	_ =	swait.ge [sflag:s29], $0x1  }
0xb8: {  	[sflag:s29] =	ssyncadd.s32 $0xFFFFFFFF  }
0xb9: {  	_ =	strace $0x90000048  }
0xba: {  	_ =	sfence  }
0xbb: {  	s30 =	sld [smem:$0x0];
	_ =	sdelay $0x2  }
0xbc: {  	s31 =	sshll.u32 s1, $0xD;
	s1 =	sshrl.u32 s1, $0x2  }
0xbd: {  	s3 =	sand.u32 $0x4000, s31;
	s1 =	sadd.s32 s1, s30  }
0xbe: {  	s0 =	sor.u32 s3, s0;
	s1 =	sshll.u32 s1, $0x11  }
0xbf: {  	s0 =	sor.u32 s1, s0  }
0xc0: {  	s0 =	sadd.s32 $0x8F2B, s0  }
0xc1: {  	[sflag:s0] =	ssyncadd.remote.s32 $0x1  }
0xc2: {  	_ =	sfence.sel $0xFFFF  }
0xc3: {  	[dreg:$0x0] =	wrdreg $0xFFFFFFFF;
	(pc) =	sbr.abs _section_cstart, $3  }
0xc4: {  	[dreg:$0x1] =	wrdreg $0xFFFFFFFF  }
0xc5: {  	_ =	task.clear_ibuf [dreg:s9], $0x2FFFF;
	_ =	strace $0x9FFFFFFF  }
0xc6: {  	(tm) =	ssettm $0x7FFFFFFF  }
0xc7: {  	_ =	shalt  }
tec
execute0_lowered:
.L_overlay_start_1:
0x0: {  	(tag) =	ssettag $0x1  }
0x1: {  	s1 =	rddreg [dreg:$0x0]  }
0x2: {  	s2 =	rddreg [dreg:$0x1]  }
0x3: {  	s0 =	rddreg [dreg:$0x2]  }
0x4: {  	s3 =	rddreg [dreg:$0x3];
	s4 =	srdreg.scid  }
0x5: {  	s5 =	simm.s32 $0x0;
	s6 =	stileid.u32;
	s10 =	simm.s32 $0x400  }
0x6: {  	s11 =	simm.s32 $0x80;
	s12 =	simm.s32 $0x800;
	s13 =	simm.s32 $0x1800  }
0x7: {  	s14 =	simm.s32 $0x100;
	s15 =	simm.s32 $0x2800;
	s16 =	simm.s32 $0x180  }
0x8: {  	s17 =	simm.s32 $0x3800;
	s18 =	simm.s32 $0x200;
	s19 =	simm.s32 $0x4800  }
0x9: {  	s20 =	simm.s32 $0x280;
	s21 =	simm.s32 $0x5800;
	s22 =	simm.s32 $0x300  }
0xa: {  	s23 =	simm.s32 $0x6800;
	s24 =	simm.s32 $0x380;
	s4 =	sand.u32 $0x1, s4  }
0xb: {  	s25 =	simm.s32 $0x7800;
	s26 =	simm.s32 $0x1;
	s7 =	ssub.s32 $0x2, s4  }
0xc: {  	s28 =	simm.s32 $0x0;
	[smem:$0x7FF] =	sst s5;
	s8 =	sshrl.u32 s7, $0x1  }
0xd: {  	s9 =	sshll.u32 s6, $0x1;
	s6 =	sadd.s32 $0xF42C00, s0;
	s31 =	ssub.s32 s7, s8  }
0xe: {  	v0 =	vlaneseq.u32;
	_ =	strace $0x80000047;
	s4 =	sor.u32 s4, s9;
	s0 =	smax.u32 s31, $0x1  }
0xf: {  	v1 =	vimm.f32 $0.0e+00;
	v0 =	vmul.u32 $0x20, v0;
	s9 =	simm.s32 $0x2;
	s7 =	smul.u32 $0x6400, s4;
	[dreg:$0x5] =	wrdreg s0  }
.LBB2_1:
0x10: {  	s29 =	simm.s32 $0x0  }
.LBB2_2:
0x11: {  	s0 =	sshll.u32 s29, $0xA  }
0x12: {  	s30 =	sadd.s32 s7, s0  }
0x13: {  	s0 =	sshrl.u32 s30, $0x3  }
0x14: {  	s8 =	simm.s32 $0x0;
	s4 =	sadd.s32 s1, s0  }
0x15: {  	[tilespmem:s8], [sflag:$0x2] =	stream.linear.gather [hbm4b:s4+s8], $0x400, $0x38;
	[tilespmem:$0x8800] =	vst v63  }
0x16: {  	_ =	swait.ge [sflag:s9], $0x400  }
0x17: {  	[sflag:s9] =	ssyncset.done $0x0  }
0x18: {  	s0 =	sadd.s32 s2, s0;
	[sflag:s9] =	ssyncadd.s32 $0xFFFFFC00  }
0x19: {  	[tilespmem:s10], [sflag:$0x2] =	stream.linear.gather [hbm4b:s0+s8], $0x400, $0x38;
	[tilespmem:$0x8800] =	vst v63  }
0x1a: {  	_ =	swait.ge [sflag:s9], $0x400  }
0x1b: {  	[sflag:s9] =	ssyncset.done $0x0  }
0x1c: {  	[sflag:s9] =	ssyncadd.s32 $0xFFFFFC00  }
0x1d: {  	[tilespmem:s12], [sflag:$0x1] =	stream.indirect.gather [hbm4b:s6+s11], $0x20, s8, s11, $0xb8;
	[tilespmem:$0x8800] =	vst v63  }
0x1e: {  	_ = 	snop  }
0x1f: {  	[tilespmem:s13], [sflag:$0x1] =	stream.indirect.gather [hbm4b:s6+s11], $0x20, s11, s11, $0xb8;
	[tilespmem:$0x8800] =	vst v63  }
0x20: {  	_ = 	snop  }
0x21: {  	[tilespmem:s15], [sflag:$0x1] =	stream.indirect.gather [hbm4b:s6+s11], $0x20, s14, s11, $0xb8;
	[tilespmem:$0x8800] =	vst v63  }
0x22: {  	_ = 	snop  }
0x23: {  	[tilespmem:s17], [sflag:$0x1] =	stream.indirect.gather [hbm4b:s6+s11], $0x20, s16, s11, $0xb8;
	[tilespmem:$0x8800] =	vst v63  }
0x24: {  	_ = 	snop  }
0x25: {  	[tilespmem:s19], [sflag:$0x1] =	stream.indirect.gather [hbm4b:s6+s11], $0x20, s18, s11, $0xb8;
	[tilespmem:$0x8800] =	vst v63  }
0x26: {  	_ = 	snop  }
0x27: {  	[tilespmem:s21], [sflag:$0x1] =	stream.indirect.gather [hbm4b:s6+s11], $0x20, s20, s11, $0xb8;
	[tilespmem:$0x8800] =	vst v63  }
0x28: {  	_ = 	snop  }
0x29: {  	[tilespmem:s23], [sflag:$0x1] =	stream.indirect.gather [hbm4b:s6+s11], $0x20, s22, s11, $0xb8;
	[tilespmem:$0x8800] =	vst v63  }
0x2a: {  	_ = 	snop  }
0x2b: {  	[tilespmem:s25], [sflag:$0x1] =	stream.indirect.gather [hbm4b:s6+s11], $0x20, s24, s11, $0xb8;
	[tilespmem:$0x8800] =	vst v63  }
0x2c: {  	_ =	swait.ge [sflag:s26], $0x1000  }
0x2d: {  	[sflag:s26] =	ssyncset.done $0x0  }
0x2e: {  	[sflag:s26] =	ssyncadd.s32 $0xFFFFF000  }
0x2f: {  	_ =	swait.ge [sflag:s26], $0x1000  }
0x30: {  	[sflag:s26] =	ssyncset.done $0x0  }
0x31: {  	[sflag:s26] =	ssyncadd.s32 $0xFFFFF000  }
0x32: {  	_ =	swait.ge [sflag:s26], $0x1000  }
0x33: {  	[sflag:s26] =	ssyncset.done $0x0  }
0x34: {  	[sflag:s26] =	ssyncadd.s32 $0xFFFFF000  }
0x35: {  	_ =	swait.ge [sflag:s26], $0x1000  }
0x36: {  	[sflag:s26] =	ssyncset.done $0x0  }
0x37: {  	[sflag:s26] =	ssyncadd.s32 $0xFFFFF000  }
0x38: {  	_ =	swait.ge [sflag:s26], $0x1000  }
0x39: {  	[sflag:s26] =	ssyncset.done $0x0  }
0x3a: {  	[sflag:s26] =	ssyncadd.s32 $0xFFFFF000  }
0x3b: {  	_ =	swait.ge [sflag:s26], $0x1000  }
0x3c: {  	[sflag:s26] =	ssyncset.done $0x0  }
0x3d: {  	[sflag:s26] =	ssyncadd.s32 $0xFFFFF000  }
0x3e: {  	_ =	swait.ge [sflag:s26], $0x1000  }
0x3f: {  	[sflag:s26] =	ssyncset.done $0x0  }
0x40: {  	[sflag:s26] =	ssyncadd.s32 $0xFFFFF000  }
0x41: {  	s0 =	sand.u32 $0xE00, s8;
	_ =	swait.ge [sflag:s26], $0x1000  }
0x42: {  	s4 =	sand.u32 $0x70, s8;
	s0 =	sshrl.u32 s0, $0x2;
	[sflag:s26] =	ssyncset.done $0x0  }
0x43: {  	s0 =	sor.u32 s4, s0;
	[sflag:s26] =	ssyncadd.s32 $0xFFFFF000  }
0x44: {  	v2 =	vld [tilespmem:s0+$0x400];
	_ =	sdelay $0x3  }
0x45: {  	v3 =	vmov s8  }
0x46: {  	vm0 =	veq.s32 v2, $0x0;
	v2 =	vshll.u32 v3, $0x5  }
0x47: {  	v2 =	vor.u32 v0, v2  }
0x48: {  	v3 =	vor.u32 $0x1, v2  }
0x49: {  	v4 =	vor.u32 $0x2, v2  }
0x4a: {  	v5 =	vor.u32 $0x3, v2  }
0x4b: {  	v6 =	vor.u32 $0x4, v2  }
0x4c: {  	v7 =	vor.u32 $0x5, v2;
	[tilespmem:v2+s12+$0x0] =	vst.idx.msk vm0, v1  }
0x4d: {  	[tilespmem:v3+s12+$0x0] =	vst.idx.msk vm0, v1;
	v3 =	vor.u32 $0x6, v2  }
0x4e: {  	v44 =	vor.u32 $0x7, v2;
	[tilespmem:v4+s12+$0x0] =	vst.idx.msk vm0, v1  }
0x4f: {  	v45 =	vor.u32 $0x8, v2;
	[tilespmem:v5+s12+$0x0] =	vst.idx.msk vm0, v1  }
0x50: {  	v46 =	vor.u32 $0x9, v2;
	[tilespmem:v6+s12+$0x0] =	vst.idx.msk vm0, v1  }
0x51: {  	v47 =	vor.u32 $0xA, v2;
	[tilespmem:v7+s12+$0x0] =	vst.idx.msk vm0, v1  }
0x52: {  	[tilespmem:v3+s12+$0x0] =	vst.idx.msk vm0, v1;
	v3 =	vor.u32 $0xB, v2  }
0x53: {  	v48 =	vor.u32 $0xC, v2;
	[tilespmem:v44+s12+$0x0] =	vst.idx.msk vm0, v1  }
0x54: {  	v49 =	vor.u32 $0xD, v2;
	[tilespmem:v45+s12+$0x0] =	vst.idx.msk vm0, v1  }
0x55: {  	v50 =	vor.u32 $0xE, v2;
	[tilespmem:v46+s12+$0x0] =	vst.idx.msk vm0, v1  }
0x56: {  	v51 =	vor.u32 $0xF, v2;
	[tilespmem:v47+s12+$0x0] =	vst.idx.msk vm0, v1  }
0x57: {  	[tilespmem:v3+s12+$0x0] =	vst.idx.msk vm0, v1;
	v3 =	vor.u32 $0x10, v2  }
0x58: {  	v52 =	vor.u32 $0x11, v2;
	[tilespmem:v48+s12+$0x0] =	vst.idx.msk vm0, v1  }
0x59: {  	v53 =	vor.u32 $0x12, v2;
	[tilespmem:v49+s12+$0x0] =	vst.idx.msk vm0, v1  }
0x5a: {  	v54 =	vor.u32 $0x13, v2;
	[tilespmem:v50+s12+$0x0] =	vst.idx.msk vm0, v1  }
0x5b: {  	v55 =	vor.u32 $0x14, v2;
	[tilespmem:v51+s12+$0x0] =	vst.idx.msk vm0, v1  }
0x5c: {  	[tilespmem:v3+s12+$0x0] =	vst.idx.msk vm0, v1;
	v3 =	vor.u32 $0x15, v2  }
0x5d: {  	v56 =	vor.u32 $0x16, v2;
	[tilespmem:v52+s12+$0x0] =	vst.idx.msk vm0, v1  }
0x5e: {  	v57 =	vor.u32 $0x17, v2;
	[tilespmem:v53+s12+$0x0] =	vst.idx.msk vm0, v1  }
0x5f: {  	v58 =	vor.u32 $0x18, v2;
	[tilespmem:v54+s12+$0x0] =	vst.idx.msk vm0, v1  }
0x60: {  	v59 =	vor.u32 $0x19, v2;
	[tilespmem:v55+s12+$0x0] =	vst.idx.msk vm0, v1  }
0x61: {  	[tilespmem:v3+s12+$0x0] =	vst.idx.msk vm0, v1;
	v3 =	vor.u32 $0x1A, v2  }
0x62: {  	v60 =	vor.u32 $0x1B, v2;
	[tilespmem:v56+s12+$0x0] =	vst.idx.msk vm0, v1  }
0x63: {  	v61 =	vor.u32 $0x1C, v2;
	[tilespmem:v57+s12+$0x0] =	vst.idx.msk vm0, v1  }
0x64: {  	v62 =	vor.u32 $0x1D, v2;
	[tilespmem:v58+s12+$0x0] =	vst.idx.msk vm0, v1  }
0x65: {  	v63 =	vor.u32 $0x1E, v2;
	[tilespmem:v59+s12+$0x0] =	vst.idx.msk vm0, v1  }
0x66: {  	[tilespmem:v3+s12+$0x0] =	vst.idx.msk vm0, v1  }
0x67: {  	v2 =	vor.u32 $0x1F, v2;
	[tilespmem:v60+s12+$0x0] =	vst.idx.msk vm0, v1  }
0x68: {  	s8 =	simm.s32 $0x40;
	[tilespmem:v61+s12+$0x0] =	vst.idx.msk vm0, v1  }
0x69: {  	s31 =	simm.s32 $0x10;
	s8 =	sand.u32 $0xE00, s8;
	[tilespmem:v62+s12+$0x0] =	vst.idx.msk vm0, v1  }
0x6a: {  	s4 =	sand.u32 $0x70, s31;
	s8 =	sshrl.u32 s8, $0x2;
	s0 =	simm.s32 $0x80;
	[tilespmem:v63+s12+$0x0] =	vst.idx.msk vm0, v1  }
.LBB2_3:
0x6b: {  	p0 =	sne.s32 s0, $0xFC0  }
0x6c: {  	s8 =	sor.u32 s4, s8;
	[tilespmem:v2+s12+$0x0] =	vst.idx.msk vm0, v1;
	s4 =	smov.u32 s0;
	s0 =	sadd.s32 $0x40, s0  }
0x6d: {  	v2 =	vld [tilespmem:s8+$0x400];
	_ =	sdelay $0x3  }
0x6e: {  	v3 =	vmov s31  }
0x6f: {  	vm0 =	veq.s32 v2, $0x0;
	v2 =	vshll.u32 v3, $0x5  }
0x70: {  	v2 =	vor.u32 v0, v2  }
0x71: {  	v3 =	vor.u32 $0x1, v2  }
0x72: {  	v4 =	vor.u32 $0x2, v2  }
0x73: {  	v5 =	vor.u32 $0x3, v2  }
0x74: {  	v6 =	vor.u32 $0x4, v2  }
0x75: {  	v7 =	vor.u32 $0x5, v2;
	[tilespmem:v2+s12+$0x0] =	vst.idx.msk vm0, v1  }
0x76: {  	[tilespmem:v3+s12+$0x0] =	vst.idx.msk vm0, v1;
	v3 =	vor.u32 $0x6, v2  }
0x77: {  	[tilespmem:v4+s12+$0x0] =	vst.idx.msk vm0, v1;
	v4 =	vor.u32 $0x7, v2  }
0x78: {  	[tilespmem:v5+s12+$0x0] =	vst.idx.msk vm0, v1;
	v5 =	vor.u32 $0x8, v2  }
0x79: {  	[tilespmem:v6+s12+$0x0] =	vst.idx.msk vm0, v1;
	v6 =	vor.u32 $0x9, v2  }
0x7a: {  	[tilespmem:v7+s12+$0x0] =	vst.idx.msk vm0, v1;
	v7 =	vor.u32 $0xA, v2  }
0x7b: {  	[tilespmem:v3+s12+$0x0] =	vst.idx.msk vm0, v1;
	v3 =	vor.u32 $0xB, v2  }
0x7c: {  	[tilespmem:v4+s12+$0x0] =	vst.idx.msk vm0, v1;
	v4 =	vor.u32 $0xC, v2  }
0x7d: {  	[tilespmem:v5+s12+$0x0] =	vst.idx.msk vm0, v1;
	v5 =	vor.u32 $0xD, v2  }
0x7e: {  	[tilespmem:v6+s12+$0x0] =	vst.idx.msk vm0, v1;
	v6 =	vor.u32 $0xE, v2  }
0x7f: {  	[tilespmem:v7+s12+$0x0] =	vst.idx.msk vm0, v1;
	v7 =	vor.u32 $0xF, v2  }
0x80: {  	[tilespmem:v3+s12+$0x0] =	vst.idx.msk vm0, v1;
	v3 =	vor.u32 $0x10, v2  }
0x81: {  	[tilespmem:v4+s12+$0x0] =	vst.idx.msk vm0, v1;
	v4 =	vor.u32 $0x11, v2  }
0x82: {  	[tilespmem:v5+s12+$0x0] =	vst.idx.msk vm0, v1;
	v5 =	vor.u32 $0x12, v2  }
0x83: {  	[tilespmem:v6+s12+$0x0] =	vst.idx.msk vm0, v1;
	v6 =	vor.u32 $0x13, v2  }
0x84: {  	[tilespmem:v7+s12+$0x0] =	vst.idx.msk vm0, v1;
	v7 =	vor.u32 $0x14, v2  }
0x85: {  	[tilespmem:v3+s12+$0x0] =	vst.idx.msk vm0, v1;
	v3 =	vor.u32 $0x15, v2  }
0x86: {  	[tilespmem:v4+s12+$0x0] =	vst.idx.msk vm0, v1;
	v4 =	vor.u32 $0x16, v2  }
0x87: {  	[tilespmem:v5+s12+$0x0] =	vst.idx.msk vm0, v1;
	v5 =	vor.u32 $0x17, v2  }
0x88: {  	[tilespmem:v6+s12+$0x0] =	vst.idx.msk vm0, v1;
	v6 =	vor.u32 $0x18, v2  }
0x89: {  	[tilespmem:v7+s12+$0x0] =	vst.idx.msk vm0, v1;
	v7 =	vor.u32 $0x19, v2  }
0x8a: {  	[tilespmem:v3+s12+$0x0] =	vst.idx.msk vm0, v1;
	v3 =	vor.u32 $0x1A, v2  }
0x8b: {  	[tilespmem:v4+s12+$0x0] =	vst.idx.msk vm0, v1;
	v4 =	vor.u32 $0x1B, v2  }
0x8c: {  	[tilespmem:v5+s12+$0x0] =	vst.idx.msk vm0, v1;
	v5 =	vor.u32 $0x1C, v2  }
0x8d: {  	[tilespmem:v6+s12+$0x0] =	vst.idx.msk vm0, v1;
	v6 =	vor.u32 $0x1D, v2  }
0x8e: {  	[tilespmem:v7+s12+$0x0] =	vst.idx.msk vm0, v1;
	v7 =	vor.u32 $0x1E, v2  }
.Ltmp0:
0x8f: {  	v2 =	vor.u32 $0x1F, v2;
	[tilespmem:v3+s12+$0x0] =	vst.idx.msk vm0, v1;
	(pc) =	sbr.rel @p0 .LBB2_3-.Ltmp0, $4  }
0x90: {  	[tilespmem:v4+s12+$0x0] =	vst.idx.msk vm0, v1  }
0x91: {  	[tilespmem:v5+s12+$0x0] =	vst.idx.msk vm0, v1  }
0x92: {  	s31 =	sadd.s32 $0x10, s31;
	s8 =	sand.u32 $0xE00, s4;
	[tilespmem:v6+s12+$0x0] =	vst.idx.msk vm0, v1  }
0x93: {  	s4 =	sand.u32 $0x70, s31;
	s8 =	sshrl.u32 s8, $0x2;
	[tilespmem:v7+s12+$0x0] =	vst.idx.msk vm0, v1  }
0x94: {  	_ =	sdelay $0x4  }
0x95: {  	s0 =	sor.u32 s4, s8;
	[tilespmem:v2+s12+$0x0] =	vst.idx.msk vm0, v1  }
0x96: {  	v2 =	vld [tilespmem:s0+$0x400];
	_ =	sdelay $0x3  }
0x97: {  	v3 =	vmov s31  }
0x98: {  	vm15 =	veq.s32 v2, $0x0;
	v2 =	vshll.u32 v3, $0x5  }
0x99: {  	v2 =	vor.u32 v0, v2  }
0x9a: {  	v3 =	vor.u32 $0x1, v2  }
0x9b: {  	v4 =	vor.u32 $0x2, v2  }
0x9c: {  	v5 =	vor.u32 $0x3, v2  }
0x9d: {  	v6 =	vor.u32 $0x4, v2  }
0x9e: {  	v7 =	vor.u32 $0x5, v2;
	[tilespmem:v2+s12+$0x0] =	vst.idx.msk vm15, v1  }
0x9f: {  	[tilespmem:v3+s12+$0x0] =	vst.idx.msk vm15, v1;
	v3 =	vor.u32 $0x6, v2  }
0xa0: {  	v44 =	vor.u32 $0x7, v2;
	[tilespmem:v4+s12+$0x0] =	vst.idx.msk vm15, v1  }
0xa1: {  	v45 =	vor.u32 $0x8, v2;
	[tilespmem:v5+s12+$0x0] =	vst.idx.msk vm15, v1  }
0xa2: {  	v46 =	vor.u32 $0x9, v2;
	[tilespmem:v6+s12+$0x0] =	vst.idx.msk vm15, v1  }
0xa3: {  	v47 =	vor.u32 $0xA, v2;
	[tilespmem:v7+s12+$0x0] =	vst.idx.msk vm15, v1  }
0xa4: {  	[tilespmem:v3+s12+$0x0] =	vst.idx.msk vm15, v1;
	v3 =	vor.u32 $0xB, v2  }
0xa5: {  	v48 =	vor.u32 $0xC, v2;
	[tilespmem:v44+s12+$0x0] =	vst.idx.msk vm15, v1  }
0xa6: {  	v49 =	vor.u32 $0xD, v2;
	[tilespmem:v45+s12+$0x0] =	vst.idx.msk vm15, v1  }
0xa7: {  	v50 =	vor.u32 $0xE, v2;
	[tilespmem:v46+s12+$0x0] =	vst.idx.msk vm15, v1  }
0xa8: {  	v51 =	vor.u32 $0xF, v2;
	[tilespmem:v47+s12+$0x0] =	vst.idx.msk vm15, v1  }
0xa9: {  	[tilespmem:v3+s12+$0x0] =	vst.idx.msk vm15, v1;
	v3 =	vor.u32 $0x10, v2  }
0xaa: {  	v52 =	vor.u32 $0x11, v2;
	[tilespmem:v48+s12+$0x0] =	vst.idx.msk vm15, v1  }
0xab: {  	v53 =	vor.u32 $0x12, v2;
	[tilespmem:v49+s12+$0x0] =	vst.idx.msk vm15, v1  }
0xac: {  	v54 =	vor.u32 $0x13, v2;
	[tilespmem:v50+s12+$0x0] =	vst.idx.msk vm15, v1  }
0xad: {  	v55 =	vor.u32 $0x14, v2;
	[tilespmem:v51+s12+$0x0] =	vst.idx.msk vm15, v1  }
0xae: {  	[tilespmem:v3+s12+$0x0] =	vst.idx.msk vm15, v1;
	v3 =	vor.u32 $0x15, v2  }
0xaf: {  	v56 =	vor.u32 $0x16, v2;
	[tilespmem:v52+s12+$0x0] =	vst.idx.msk vm15, v1  }
0xb0: {  	v57 =	vor.u32 $0x17, v2;
	[tilespmem:v53+s12+$0x0] =	vst.idx.msk vm15, v1  }
0xb1: {  	v58 =	vor.u32 $0x18, v2;
	[tilespmem:v54+s12+$0x0] =	vst.idx.msk vm15, v1  }
0xb2: {  	v59 =	vor.u32 $0x19, v2;
	[tilespmem:v55+s12+$0x0] =	vst.idx.msk vm15, v1  }
0xb3: {  	[tilespmem:v3+s12+$0x0] =	vst.idx.msk vm15, v1;
	v3 =	vor.u32 $0x1A, v2  }
0xb4: {  	v60 =	vor.u32 $0x1B, v2;
	[tilespmem:v56+s12+$0x0] =	vst.idx.msk vm15, v1  }
0xb5: {  	v61 =	vor.u32 $0x1C, v2;
	[tilespmem:v57+s12+$0x0] =	vst.idx.msk vm15, v1  }
0xb6: {  	v62 =	vor.u32 $0x1D, v2;
	[tilespmem:v58+s12+$0x0] =	vst.idx.msk vm15, v1  }
0xb7: {  	v63 =	vor.u32 $0x1E, v2;
	[tilespmem:v59+s12+$0x0] =	vst.idx.msk vm15, v1  }
0xb8: {  	v2 =	vor.u32 $0x1F, v2;
	[tilespmem:v3+s12+$0x0] =	vst.idx.msk vm15, v1  }
0xb9: {  	[tilespmem:v60+s12+$0x0] =	vst.idx.msk vm15, v1  }
0xba: {  	[tilespmem:v61+s12+$0x0] =	vst.idx.msk vm15, v1  }
0xbb: {  	s29 =	sadd.s32 $0x1, s29;
	[tilespmem:v62+s12+$0x0] =	vst.idx.msk vm15, v1  }
0xbc: {  	s31 =	sshll.u32 s30, $0x2;
	p0 =	sne.s32 s29, $0x19;
	[tilespmem:v63+s12+$0x0] =	vst.idx.msk vm15, v1  }
.Ltmp1:
0xbd: {  	s0 =	sadd.s32 s3, s31;
	[tilespmem:v2+s12+$0x0] =	vst.idx.msk vm15, v1;
	(pc) =	sbr.rel @p0 .LBB2_2-.Ltmp1, $4  }
0xbe: {  	[hbm4b:s0+s5] =	stream.linear.scatter [tilespmem:s12], [sflag:$0x2], $0x8000, $0x38;
	[tilespmem:$0x8800] =	vst v63  }
0xbf: {  	_ =	swait.ge [sflag:s9], $0x8000  }
0xc0: {  	[sflag:s9] =	ssyncset.done $0x0  }
0xc1: {  	[sflag:s9] =	ssyncadd.s32 $0xFFFF8000  }
0xc2: {  	s28 =	sadd.s32 $0x1, s28;
	s0 =	rddreg [dreg:$0x5]  }
0xc3: {  	p0 =	sne.s32 s28, s0  }
.Ltmp2:
0xc4: {  	_ = 	snop;
	(pc) =	sbr.rel @p0 .LBB2_1-.Ltmp2, $1  }
0xc5: {  	_ =	sdelay $0x3  }
0xc6: {  	_ =	sfence.sel $0x180000  }
0xc7: {  	[bflag:$0x0] =	sbarrier.arrive $0xFFFF  }
0xc8: {  	_ =	strace $0x90000047  }
0xc9: {  	s0 =	stileid.u32;
	[bflag:$0x2] =	sbarrier.arrive $0xFFFF  }
0xca: {  	p0 =	sne.s32 s0, $0x0;
	s0 =	rddreg [dreg:$0x4]  }
0xcb: {  	s0 =	sadd.s32 @!p0 $0x100000, s0  }
0xcc: {  	[sflag:s0] =	ssyncadd.tile.s32 @!p0 $0x1;
	_ =	shalt  }
.Lfunc_end2:
_tile_overlayer_lowered:
.L_overlay_start_2:
0xcd: {  	(tag) =	ssettag $0x2  }
0xce: {  	s0 =	rddreg [dreg:$0x0];
	s2 =	stileid.u32  }
0xcf: {  	s1 =	rddreg [dreg:$0x1];
	p0 =	sne.s32 s2, $0x0  }
0xd0: {  	s3 =	rddreg [dreg:$0x2];
	[bflag:$0x3] =	sbarrier.arrive $0xFFFF;
	s2 =	simm.s32 @!p0 $0x1C02  }
0xd1: {  	[timem:s3], [sflag:s2] =	dma.local @!p0 [hbm:s0], s1  }
0xd2: {  	s0 =	simm.s32 @!p0 $0x2  }
0xd3: {  	_ =	swait.ge @!p0 [sflag:s0], s1  }
0xd4: {  	s1 =	ssub.s32 @!p0 $0x0, s1;
	[sflag:s0] =	ssyncset.done @!p0 $0x0  }
0xd5: {  	[sflag:s0] =	ssyncadd.s32 @!p0 s1  }
0xd6: {  	[bflag:$0x3] =	sbarrier.arrive $0xFFFF  }
0xd7: {  	_ =	shalt  }

// kernel: sparse-core-data-format-call.cloned.1.call-start
scs
called_computation_lowered:
.L_overlay_start_0:
0x0: {  	s2 =	sld [smem:$0x3FD9]  }
0x1: {  	s3 =	sld [smem:$0x3FFE];
	_ =	sdelay $0x1  }
0x2: {  	s1 =	srdreg.scid  }
0x3: {  	s0 =	sand.u32 $0x1, s1  }
0x4: {  	s18 =	sshll.u32 s0, $0xA;
	s2 =	sadd.s32 s3, s2  }
0x5: {  	s2 =	sadd.s32 s2, s18  }
0x6: {  	[smem:$0x3FC5] =	sst s2  }
0x7: {  	_ = 	snop  }
0x8: {  	s2 =	sld [smem:$0x3FD0];
	(tm) =	ssettm $0x1  }
0x9: {  	s19 =	sld [smem:$0x3FFB];
	_ =	sdelay $0x3  }
0xa: {  	_ =	strace s19  }
0xb: {  	s3 =	sld [smem:$0x3FFC];
	_ =	sdelay $0x3  }
0xc: {  	_ =	strace s3  }
0xd: {  	s3 =	sld [smem:$0x3FFD];
	_ =	sdelay $0x3  }
0xe: {  	_ =	strace s3  }
0xf: {  	_ =	strace $0x8FFFFFFF  }
0x10: {  	s20 =	sld [smem:$0x3FDB];
	_ =	sdelay $0x1  }
0x11: {  	s4 =	simm.s32 $_scs_section_size  }
0x12: {  	s5 =	simm.s32 $_size__tile_overlayer_lowered;
	s6 =	simm.s32 $_tile_overlayer_lowered  }
0x13: {  	s23 =	simm.s32 $0x1BFF;
	s22 =	sshll.u32 s6, $0x1;
	s3 =	sadd.s32 s4, s20  }
0x14: {  	s7 =	simm.s32 $0x0;
	s21 =	sshll.u32 s5, $0x1;
	s5 =	sadd.s32 s22, s3  }
0x15: {  	[timem:s7], [sflag:s23] =	dma.local [hbm:s5], s21  }
0x16: {  	_ =	swait.ge [sflag:s23], s21  }
0x17: {  	s4 =	ssub.s32 $0x0, s21;
	[sflag:s23] =	ssyncset.done $0x0  }
0x18: {  	[sflag:s23] =	ssyncadd.s32 s4;
	_ =	sdelay $0x1  }
0x19: {  	s24 =	simm.s32 $0x1B8B  }
0x1a: {  	_ =	swait.ge [sflag:s24], $0x1  }
0x1b: {  	[sflag:s24] =	ssyncset.done $0x0  }
0x1c: {  	s26 =	simm.s32 $0x1B8E;
	s25 =	sld [smem:$0x3FFE];
	[sflag:s24] =	ssyncadd.s32 $0xFFFFFFFF  }
0x1d: {  	s27 =	simm.s32 $execute0_lowered;
	[smem:$0x3FD2] =	sst s26  }
0x1e: {  	s5 =	sshll.u32 s27, $0x1;
	_ =	strace $0x80000049;
	[dreg:$0x1] =	wrdreg $0xFFFFFFFF  }
0x1f: {  	s28 =	simm.s32 $_size_execute0_lowered;
	s3 =	sadd.s32 s3, s5;
	[dreg:$0x0] =	wrdreg $0x0  }
0x20: {  	s5 =	sshll.u32 s28, $0x1;
	[dreg:$0x2] =	wrdreg s3  }
0x21: {  	[dreg:$0x3] =	wrdreg s5  }
0x22: {  	[dreg:$0x4] =	wrdreg $0xC0  }
0x23: {  	_ =	task [dreg:s7], $0x5FFFF  }
0x24: {  	[dreg:$0x1] =	wrdreg $0xFFFFFFFF  }
0x25: {  	[dreg:$0x0] =	wrdreg $0x60  }
0x26: {  	[dreg:$0x2] =	wrdreg s25  }
0x27: {  	[dreg:$0x3] =	wrdreg s2  }
0x28: {  	[dreg:$0x4] =	wrdreg $0x9  }
0x29: {  	_ =	task.clear_ibuf [dreg:s7], $0x5FFFF;
	_ =	strace $0x90000049  }
0x2a: {  	s29 =	simm.s32 $0x9;
	_ =	strace $0x8000004B  }
0x2b: {  	_ =	swait.ge [sflag:s29], $0x1  }
0x2c: {  	[sflag:s29] =	ssyncadd.s32 $0xFFFFFFFF  }
0x2d: {  	_ =	strace $0x9000004B  }
0x2e: {  	_ =	sfence  }
0x2f: {  	s30 =	sld [smem:$0x0];
	_ =	sdelay $0x2  }
0x30: {  	s31 =	sshll.u32 s1, $0xD;
	s1 =	sshrl.u32 s1, $0x2  }
0x31: {  	s3 =	sand.u32 $0x4000, s31;
	s1 =	sadd.s32 s1, s30  }
0x32: {  	s0 =	sor.u32 s3, s0;
	s1 =	sshll.u32 s1, $0x11  }
0x33: {  	s0 =	sor.u32 s1, s0  }
0x34: {  	s0 =	sadd.s32 $0x8F2B, s0  }
0x35: {  	[sflag:s0] =	ssyncadd.remote.s32 $0x1  }
0x36: {  	_ =	sfence.sel $0xFFFF  }
0x37: {  	[dreg:$0x0] =	wrdreg $0xFFFFFFFF;
	(pc) =	sbr.abs _section_cstart, $3  }
0x38: {  	[dreg:$0x1] =	wrdreg $0xFFFFFFFF  }
0x39: {  	_ =	task.clear_ibuf [dreg:s7], $0x2FFFF;
	_ =	strace $0x9FFFFFFF  }
0x3a: {  	(tm) =	ssettm $0x7FFFFFFF  }
0x3b: {  	_ =	shalt  }
tec
execute0_lowered:
.L_overlay_start_1:
0x0: {  	(tag) =	ssettag $0x1  }
0x1: {  	s0 =	srdreg.scid  }
0x2: {  	s1 =	sshll.u32 s0, $0x4  }
0x3: {  	s4 =	rddreg [dreg:$0x0];
	s0 =	stileid.u32;
	s1 =	sand.u32 $0x10, s1  }
0x4: {  	s2 =	rddreg [dreg:$0x1];
	s7 =	simm.s32 $0x1;
	s1 =	sor.u32 s0, s1  }
0x5: {  	s8 =	simm.s32 $0x2;
	s11 =	simm.s32 $0x0;
	s3 =	sshll.u32 s1, $0x7  }
0x6: {  	s10 =	simm.s32 $0x0;
	s4 =	sadd.s32 $0x800, s4;
	s6 =	ssub.s32 $0xC8000, s3  }
.Ltmp0:
0x7: {  	s1 =	rddreg [dreg:$0x2];
	s5 =	sand.u32 $0xF80, s6;
	(pc) =	sbr.rel .LBB1_1-.Ltmp0, $4  }
0x8: {  	_ =	strace $0x8000004A;
	s9 =	smov.u32 s3;
	p0 =	sne.s32 s5, $0x0  }
0x9: {  	s6 =	sshrl.u32 s6, $0xC;
	s5 =	simm.s32 $0x1;
	s7 =	simm.s32 @!p0 $0x0  }
0xa: {  	[sflag:s5] =	ssyncpa.u1 $0x0;
	p0 =	por $0x0, $0x0;
	s6 =	sadd.s32 s7, s6  }
0xb: {  	[sflag:s8] =	ssyncpa.u1 $0x0;
	s8 =	simm.s32 $0x640000;
	s7 =	sadd.s32 $0x1, s6  }
.LBB1_4:
0xc: {  	s14 =	sshll.u32 s11, $0x3  }
0xd: {  	s30 =	sand.u32 $0x7F, s11;
	s15 =	sand.u32 $0xFFFFFC00, s14  }
0xe: {  	s11 =	sor.u32 s30, s15  }
0xf: {  	s15 =	smulhi.u32 $0x51EB851F, s11  }
0x10: {  	s14 =	smulhi.u32 $0x51EB851F, s14  }
0x11: {  	s15 =	sshrl.u32 s15, $0x12  }
0x12: {  	s14 =	sshrl.u32 s14, $0x12;
	s15 =	smul.u32 $0xC8000, s15  }
0x13: {  	s14 =	sand.u32 $0x1F, s14  }
0x14: {  	s14 =	smul.u32 $0x19000, s14;
	s11 =	ssub.s32 s11, s15  }
0x15: {  	s15 =	sand.u32 $0x7, s11  }
0x16: {  	s14 =	sadd.s32 s2, s14;
	s11 =	sshrl.u32 s11, $0x3;
	s15 =	sshll.u32 s15, $0x12  }
0x17: {  	[tilespmem:s13+$0x0 ss:$0x81] =	vst.msk $0xffff, v0;
	s11 =	sadd.s32 s11, s14;
	s31 =	sor.u32 $0x400, s15  }
0x18: {  	[hbm4b:s11+s31] =	stream.strided.scatter [tilespmem:s12], [sflag:$0x2], $0x1000, s8, s31, $0x20;
	[tilespmem:$0x4040] =	vst v63  }
.LBB1_5:
0x19: {  	s13 =	sadd.s32 $0x1000, s9  }
0x1a: {  	p2 =	sgt.s32 s13, $0xC7FFF  }
0x1b: {  	s13 =	smov.u32 @p2 s3;
	p2 =	sne.s32 s10, s7  }
.Ltmp1:
0x1c: {  	p1 =	slt.u32 s10, $0x2;
	(pc) =	sbr.rel @!p2 .LBB1_6-.Ltmp1, $4  }
0x1d: {  	s12 =	simm.s32 @!p1 $0x2  }
0x1e: {  	s14 =	sadd.s32 $0x1, s10;
	_ =	swait.ge @!p1 [sflag:s12], $0x1000  }
0x1f: {  	s11 =	smov.u32 s9;
	p0 =	por !p0, !p0;
	[sflag:s12] =	ssyncset.done @!p1 $0x0  }
0x20: {  	s10 =	smov.u32 s14;
	s9 =	smov.u32 s13;
	[sflag:s12] =	ssyncadd.s32 @!p1 $0xFFFFF000  }
.LBB1_1:
0x21: {  	p1 =	sge.u32 s10, s6  }
0x22: {  	s12 =	sand.u32 @!p1 $0x1FFFFFF, s9  }
0x23: {  	s13 =	smulhi.u32 @!p1 $0x147AE15, s12;
	_ =	sdelay $0x1  }
0x24: {  	s13 =	sshrl.u32 @!p1 s13, $0xC  }
0x25: {  	s13 =	smul.u32 @!p1 $0xC8000, s13;
	_ =	sdelay $0x1  }
0x26: {  	s31 =	sadd.s32 $0xFFFFFFFF, s10;
	s14 =	sxor.u32 @!p1 $0xFFFFFFFF, s10;
	s12 =	ssub.s32 @!p1 s12, s13  }
0x27: {  	s15 =	simm.s32 @!p1 $0x80;
	s14 =	sshll.u32 @!p1 s14, $0xC;
	s12 =	sshll.u32 @!p1 s12, $0x4  }
0x28: {  	s13 =	sand.u32 @!p1 $0x1000, s14;
	s14 =	simm.s32 @!p1 $0x20;
	s12 =	sadd.s32 @!p1 s4, s12  }
0x29: {  	[tilespmem:s13], [sflag:$0x1] =	stream.strided.gather @!p1 [hbm4b:s12+s14], $0x1000, s15, s14, $0x38;
	[tilespmem:$0x4040] =	vst v63  }
0x2a: {  	p1 =	sge.u32 s31, s6  }
.Ltmp2:
0x2b: {  	_ = 	snop;
	(pc) =	sbr.rel @p1 .LBB1_5-.Ltmp2, $1  }
0x2c: {  	_ =	sdelay $0x3  }
0x2d: {  	s12 =	simm.s32 $0x1  }
0x2e: {  	_ =	swait.ge [sflag:s5], $0x1000;
	s12 =	simm.s32 @!p0 $0x0  }
0x2f: {  	[sflag:s5] =	ssyncset.done $0x0;
	s13 =	sshll.u32 s12, $0xC  }
0x30: {  	[sflag:s5] =	ssyncadd.s32 $0xFFFFF000;
	s16 =	sor.u32 $0x10, s13  }
0x31: {  	s12 =	smul.u32 $0x4080, s12;
	v1 =	vld [tilespmem:s16+$0x0]  }
0x32: {  	s30 =	sand.u32 $0x1, s10;
	v0 =	vld [tilespmem:s16+$0xFFFFFFF0]  }
0x33: {  	s13 =	smul.u32 $0x4080, s30;
	s12 =	sshrl.u32 s12, $0x2  }
0x34: {  	s14 =	sor.u32 $0x2000, s12  }
0x35: {  	s31 =	sshrl.u32 s13, $0x2;
	s13 =	sadd.s32 $0x0, s14  }
0x36: {  	s15 =	simm.s32 $0x4;
	s16 =	sadd.s32 $0x20, s16;
	s12 =	sor.u32 $0x2000, s31;
	[tilespmem:s13+$0x810 ss:$0x81] =	vst.msk $0xffff, v1  }
.LBB1_3:
0x37: {  	v1 =	vld [tilespmem:s16+$0x0];
	p1 =	sne.s32 s15, $0x1FC;
	[tilespmem:s13+$0x0 ss:$0x81] =	vst.msk $0xffff, v0;
	s13 =	smov.u32 s15;
	s15 =	sadd.s32 $0x4, s15  }
.Ltmp3:
0x38: {  	v0 =	vld [tilespmem:s16+$0xFFFFFFF0];
	(pc) =	sbr.rel @p1 .LBB1_3-.Ltmp3, $4  }
0x39: {  	_ = 	snop  }
0x3a: {  	s13 =	sshra.s32 s13, $0x2  }
0x3b: {  	s13 =	sadd.s32 s13, s14  }
0x3c: {  	s16 =	sadd.s32 $0x20, s16;
	[tilespmem:s13+$0x810 ss:$0x81] =	vst.msk $0xffff, v1  }
.Ltmp4:
0x3d: {  	_ = 	snop;
	(pc) =	sbr.rel .LBB1_4-.Ltmp4, $1  }
0x3e: {  	_ =	sdelay $0x3  }
.LBB1_6:
0x3f: {  	_ =	sfence.sel $0x180000  }
0x40: {  	s2 =	simm.s32 $0x1;
	[bflag:$0x0] =	sbarrier.arrive $0xFFFF  }
0x41: {  	s31 =	simm.s32 $0x2;
	[sflag:s2] =	ssyncpa.u1 $0x1  }
0x42: {  	[sflag:s31] =	ssyncpa.u1 $0x1  }
0x43: {  	p0 =	sne.s32 s0, $0x0;
	_ =	strace $0x9000004A  }
0x44: {  	s0 =	sadd.s32 @!p0 $0x100000, s1;
	[bflag:$0x2] =	sbarrier.arrive $0xFFFF  }
0x45: {  	[sflag:s0] =	ssyncadd.tile.s32 @!p0 $0x1;
	_ =	shalt  }
.Lfunc_end1:
_tile_overlayer_lowered:
.L_overlay_start_2:
0x46: {  	(tag) =	ssettag $0x2  }
0x47: {  	s0 =	rddreg [dreg:$0x0];
	s2 =	stileid.u32  }
0x48: {  	s1 =	rddreg [dreg:$0x1];
	p0 =	sne.s32 s2, $0x0  }
0x49: {  	s3 =	rddreg [dreg:$0x2];
	[bflag:$0x3] =	sbarrier.arrive $0xFFFF;
	s2 =	simm.s32 @!p0 $0x1C01  }
0x4a: {  	[timem:s3], [sflag:s2] =	dma.local @!p0 [hbm:s0], s1  }
0x4b: {  	s0 =	simm.s32 @!p0 $0x1  }
0x4c: {  	_ =	swait.ge @!p0 [sflag:s0], s1  }
0x4d: {  	s1 =	ssub.s32 @!p0 $0x0, s1;
	[sflag:s0] =	ssyncset.done @!p0 $0x0  }
0x4e: {  	[sflag:s0] =	ssyncadd.s32 @!p0 s1  }
0x4f: {  	[bflag:$0x3] =	sbarrier.arrive $0xFFFF  }
0x50: {  	_ =	shalt  }

</sc_bundles>
